<compile_context>
chip_gen: v7x
topology: tpu7x:2x2x1
jax: 0.10.2.dev20260603
libtpu: 0.0.44.dev20260713+nightly
codegen_flags: <defaults>
</compile_context>

<pallas_src>
import dataclasses
import functools

import jax
import jax.numpy as jnp
from jax import lax
from jax.experimental import pallas as pl
from jax.experimental.pallas import tpu as pltpu
from jax.experimental.pallas import tpu_sc as plsc

N_NODES = 10000
N_EDGES = 320000
D_FEAT = 128
D_OUT = 2
NC = 2
NS = 16
NW = NC * NS
L = 16
FLAT = N_NODES * D_OUT
CH = (N_EDGES // NW) // 128 * 128
REM = N_EDGES - NW * CH
CHBUF = CH + REM


def _mesh():
    return plsc.VectorSubcoreMesh(core_axis_name="c", subcore_axis_name="s")


def _sc_params():
    cp = pltpu.CompilerParams()
    if "needs_layout_passes" in pltpu.CompilerParams.__dataclass_fields__:
        cp = dataclasses.replace(cp, needs_layout_passes=False)
    return cp


def _sc_degree_partials(edges):

    @functools.partial(
        pl.kernel,
        out_type=jax.ShapeDtypeStruct((2 * NW * N_NODES,), jnp.float32),
        mesh=_mesh(),
        compiler_params=_sc_params(),
        scratch_types=[
            pltpu.VMEM((2, CHBUF), jnp.int32),
            pltpu.VMEM((N_NODES,), jnp.float32),
            pltpu.VMEM((N_NODES,), jnp.float32),
        ],
    )
    def hist_kernel(edge_hbm, out_hbm, edge_v, dego_v, degi_v):
        wid = lax.axis_index("c") * NS + lax.axis_index("s")
        base = wid * CH
        pltpu.sync_copy(edge_hbm.at[:, pl.ds(base, CH)], edge_v.at[:, pl.ds(0, CH)])
        last = wid == NW - 1

        @pl.when(last)
        def _():
            pltpu.sync_copy(edge_hbm.at[:, pl.ds(NW * CH, REM)],
                            edge_v.at[:, pl.ds(CH, REM)])

        zf = jnp.zeros((L,), jnp.float32)

        @pl.loop(0, N_NODES, step=L, unroll=8)
        def _(i):
            dego_v[pl.ds(i, L)] = zf
            degi_v[pl.ds(i, L)] = zf

        onesf = jnp.ones((L,), jnp.float32)

        def step(i):
            s16 = edge_v[0, pl.ds(i, L)]
            d16 = edge_v[1, pl.ds(i, L)]
            plsc.addupdate_scatter(dego_v, [s16], onesf)
            plsc.addupdate_scatter(degi_v, [d16], onesf)

        @plsc.parallel_loop(0, CH, step=L, unroll=8)
        def _(i):
            step(i)

        @pl.when(last)
        def _():
            @pl.loop(CH, CHBUF, step=L, unroll=8)
            def _(i):
                step(i)

        pltpu.sync_copy(dego_v, out_hbm.at[pl.ds(wid * N_NODES, N_NODES)])
        pltpu.sync_copy(degi_v, out_hbm.at[pl.ds((NW + wid) * N_NODES, N_NODES)])

    return hist_kernel(edges)


def _sc_aggregate_partials(feat_flat, edges):

    @functools.partial(
        pl.kernel,
        out_type=jax.ShapeDtypeStruct((2 * NW * N_NODES,), jnp.float32),
        mesh=_mesh(),
        compiler_params=_sc_params(),
        scratch_types=[
            pltpu.VMEM((2, CHBUF), jnp.int32),
            pltpu.VMEM((FLAT,), jnp.float32),
            pltpu.VMEM((FLAT,), jnp.float32),
        ],
    )
    def agg_kernel(feat_hbm, edge_hbm, out_hbm, edge_v, feat_v, acc_v):
        wid = lax.axis_index("c") * NS + lax.axis_index("s")
        base = wid * CH
        pltpu.sync_copy(feat_hbm, feat_v)
        pltpu.sync_copy(edge_hbm.at[:, pl.ds(base, CH)], edge_v.at[:, pl.ds(0, CH)])
        last = wid == NW - 1

        @pl.when(last)
        def _():
            pltpu.sync_copy(edge_hbm.at[:, pl.ds(NW * CH, REM)],
                            edge_v.at[:, pl.ds(CH, REM)])

        zf = jnp.zeros((L,), jnp.float32)

        @pl.loop(0, FLAT, step=L, unroll=8)
        def _(i):
            acc_v[pl.ds(i, L)] = zf

        offk = jnp.full((L,), N_NODES, jnp.int32)

        def step(i):
            s16 = edge_v[0, pl.ds(i, L)]
            d16 = edge_v[1, pl.ds(i, L)]
            v0 = plsc.load_gather(feat_v, [s16])
            v1 = plsc.load_gather(feat_v, [s16 + offk])
            plsc.addupdate_scatter(acc_v, [d16], v0)
            plsc.addupdate_scatter(acc_v, [d16 + offk], v1)

        @plsc.parallel_loop(0, CH, step=L, unroll=8)
        def _(i):
            step(i)

        @pl.when(last)
        def _():
            @pl.loop(CH, CHBUF, step=L, unroll=8)
            def _(i):
                step(i)

        pltpu.sync_copy(acc_v.at[pl.ds(0, N_NODES)],
                        out_hbm.at[pl.ds(wid * N_NODES, N_NODES)])
        pltpu.sync_copy(acc_v.at[pl.ds(N_NODES, N_NODES)],
                        out_hbm.at[pl.ds((NW + wid) * N_NODES, N_NODES)])

    return agg_kernel(feat_flat, edges)


def _tc_project(x, W):

    def body(x_ref, w_ref, y_ref):
        y_ref[...] = jax.lax.dot_general(
            w_ref[...], x_ref[...],
            dimension_numbers=(((0,), (1,)), ((), ())),
            preferred_element_type=jnp.float32,
            precision=jax.lax.Precision.HIGHEST,
        )

    return pl.pallas_call(
        body,
        out_shape=jax.ShapeDtypeStruct((D_OUT, N_NODES), jnp.float32),
    )(x, W)


def _tc_norm_feat(deg_part, yT):

    def body(dp_ref, y_ref, feat_ref, nd_ref):
        dego = dp_ref[pl.ds(0, N_NODES)]
        degi = dp_ref[pl.ds(NW * N_NODES, N_NODES)]
        for w in range(1, NW):
            dego = dego + dp_ref[pl.ds(w * N_NODES, N_NODES)]
            degi = degi + dp_ref[pl.ds((NW + w) * N_NODES, N_NODES)]
        do = jnp.maximum(dego, 1.0)
        di = jnp.maximum(degi, 1.0)
        ro = jax.lax.rsqrt(do)
        ri = jax.lax.rsqrt(di)
        ns = ro * (1.5 - 0.5 * do * ro * ro)
        nd_ref[...] = ri * (1.5 - 0.5 * di * ri * ri)
        y = y_ref[...]
        feat_ref[pl.ds(0, N_NODES)] = y[0, :] * ns
        feat_ref[pl.ds(N_NODES, N_NODES)] = y[1, :] * ns

    return pl.pallas_call(
        body,
        out_shape=(
            jax.ShapeDtypeStruct((FLAT,), jnp.float32),
            jax.ShapeDtypeStruct((N_NODES,), jnp.float32),
        ),
    )(deg_part, yT)


def _tc_finish(agg_part, nd, b):

    def body(ap_ref, nd_ref, b_ref, o_ref):
        a0 = ap_ref[pl.ds(0, N_NODES)]
        a1 = ap_ref[pl.ds(NW * N_NODES, N_NODES)]
        for w in range(1, NW):
            a0 = a0 + ap_ref[pl.ds(w * N_NODES, N_NODES)]
            a1 = a1 + ap_ref[pl.ds((NW + w) * N_NODES, N_NODES)]
        nd = nd_ref[...]
        o_ref[0, :] = a0 * nd + b_ref[0]
        o_ref[1, :] = a1 * nd + b_ref[1]

    return pl.pallas_call(
        body,
        out_shape=jax.ShapeDtypeStruct((D_OUT, N_NODES), jnp.float32),
    )(agg_part, nd, b)


def kernel(x, edge_index, W, b):
    edges = edge_index.astype(jnp.int32)
    yT = _tc_project(x, W)
    deg_part = _sc_degree_partials(edges)
    feat_flat, nd = _tc_norm_feat(deg_part, yT)
    agg_part = _sc_aggregate_partials(feat_flat, edges)
    return _tc_finish(agg_part, nd, b).T

# --- scband reference (transcript-rebuilt; emitter-appended) ---
"""Pipeline reference for scband-my-gcn-8177617732280 (READ-ONLY COPY).

The authoritative reference and input builder live on the scoring server;
editing this copy changes nothing except your own understanding.
"""

import jax, jax.numpy as jnp
import numpy as np

N_NODES = 10000
N_EDGES = 320000
D_FEAT = 128
D_OUT = 2

def setup_inputs(seed: int = 0) -> dict:
    key = jax.random.key(seed)
    k1, k2, k3 = jax.random.split(key, 3)
    x = jax.random.normal(k1, (N_NODES, D_FEAT), dtype=jnp.float32)
    edge_index = jax.random.randint(k2, (2, N_EDGES), 0, N_NODES, dtype=jnp.int64)
    # GraphConv learned params (DGL GraphConv(num_features, 2), norm='both', weight=True, bias=True)
    W = jax.random.normal(k3, (D_FEAT, D_OUT), dtype=jnp.float32) * (1.0 / np.sqrt(D_FEAT))
    b = jnp.zeros((D_OUT,), dtype=jnp.float32)
    return {"x": x, "edge_index": edge_index, "W": W, "b": b}

def reference(x, edge_index, W, b):
    # Faithful port of DGL GraphConv with norm='both':
    #   h = D_dst^{-1/2} * A^T * (D_src^{-1/2} * x) @ W + b
    # Since in_feats (128) > out_feats (2), weight is applied BEFORE aggregation (DGL optimization).
    src = edge_index[0]
    dst = edge_index[1]
    ones = jnp.ones((edge_index.shape[1],), dtype=jnp.float32)
    deg_out = jnp.zeros((N_NODES,), dtype=jnp.float32).at[src].add(ones)
    deg_in = jnp.zeros((N_NODES,), dtype=jnp.float32).at[dst].add(ones)
    norm_src = jnp.power(jnp.clip(deg_out, 1.0, None), -0.5)
    norm_dst = jnp.power(jnp.clip(deg_in, 1.0, None), -0.5)
    feat = x * norm_src[:, None]
    feat = feat @ W  # project first: in_feats > out_feats
    msgs = jnp.take(feat, src, axis=0)  # gather source features per edge
    agg = jnp.zeros((N_NODES, D_OUT), dtype=jnp.float32).at[dst].add(msgs)  # scatter-add
    out = agg * norm_dst[:, None] + b
    return out

if __name__ == "__main__":
    import jax
    _d = setup_inputs()
    print(jax.jit(kernel)(*tuple(_d.values())))

</pallas_src>

<mosaic_0001>
#map = affine_map<(d0, d1) -> (0, 0)>
#map1 = affine_map<(d0, d1) -> (0)>
module attributes {stable_mosaic.version = 14 : i64} {
  func.func @hist_kernel(%arg0: i32, %arg1: i32, %arg2: memref<2x320000xi32, #tpu.memory_space<hbm>>, %arg3: memref<640000xf32, #tpu.memory_space<hbm>>, %arg4: memref<2x10496xi32, #tpu.memory_space<vmem>>, %arg5: memref<10000xf32, #tpu.memory_space<vmem>>, %arg6: memref<10000xf32, #tpu.memory_space<vmem>>) attributes {dimension_semantics = [#tpu.dimension_semantics<core_parallel>, #tpu.dimension_semantics<subcore_parallel>], iteration_bounds = array<i64: 2, 16>, scalar_prefetch = 0 : i64, scratch_operands = 3 : i64, tpu.core_type = #tpu.core_type<sc_vector_subcore>, window_params = [{transform_indices = #map}, {transform_indices = #map1}]} {
    %mul3A = arith.constant 16 : i32
    %mul3A_0 = arith.muli %arg0, %mul3A : i32
    %add3A = arith.addi %mul3A_0, %arg1 : i32
    %mul3A_1 = arith.constant 9984 : i32
    %mul3A_2 = arith.muli %add3A, %mul3A_1 : i32
    "tpu.region"() ({
      %run_scoped3A = tpu.sem_alloc : memref<!tpu.dma_semaphore, #tpu.memory_space<semaphore_mem>>
      %dma_start3A = arith.constant 0 : i32
      %dma_start3A_32 = arith.constant 0 : i32
      %dma_start3A_33 = tpu.memref_slice %arg4[%dma_start3A, %dma_start3A_32] : memref<2x10496xi32, #tpu.memory_space<vmem>> -> memref<2x9984xi32, #tpu.memory_space<vmem>>
      %dma_start3A_34 = arith.constant 0 : i32
      %dma_start3A_35 = tpu.memref_slice %arg2[%dma_start3A_34, %mul3A_2] : memref<2x320000xi32, #tpu.memory_space<hbm>> -> memref<2x9984xi32, #tpu.memory_space<hbm>>
      %dma_start3A_36 = arith.constant 0 : i32
      %dma_start3A_37 = arith.constant 0 : i32
      %dma_start3A_38 = tpu.memref_slice %arg4[%dma_start3A_36, %dma_start3A_37] : memref<2x10496xi32, #tpu.memory_space<vmem>> -> memref<2x9984xi32, #tpu.memory_space<vmem>>
      %dma_start3A_39 = arith.constant 0 : i32
      %dma_start3A_40 = tpu.memref_slice %arg2[%dma_start3A_39, %mul3A_2] : memref<2x320000xi32, #tpu.memory_space<hbm>> -> memref<2x9984xi32, #tpu.memory_space<hbm>>
      tpu.enqueue_dma source(%dma_start3A_40 : memref<2x9984xi32, #tpu.memory_space<hbm>>) target(%dma_start3A_38 : memref<2x9984xi32, #tpu.memory_space<vmem>>) target_semaphore(%run_scoped3A : memref<!tpu.dma_semaphore, #tpu.memory_space<semaphore_mem>>)
      %dma_wait3A = arith.constant 0 : i32
      %dma_wait3A_41 = arith.constant 0 : i32
      %dma_wait3A_42 = tpu.memref_slice %arg4[%dma_wait3A, %dma_wait3A_41] : memref<2x10496xi32, #tpu.memory_space<vmem>> -> memref<2x9984xi32, #tpu.memory_space<vmem>>
      %dma_wait3A_43 = arith.constant 0 : i32
      %dma_wait3A_44 = tpu.memref_slice %arg2[%dma_wait3A_43, %mul3A_2] : memref<2x320000xi32, #tpu.memory_space<hbm>> -> memref<2x9984xi32, #tpu.memory_space<hbm>>
      %dma_wait3A_45 = arith.constant 0 : i32
      %dma_wait3A_46 = arith.constant 0 : i32
      %dma_wait3A_47 = tpu.memref_slice %arg4[%dma_wait3A_45, %dma_wait3A_46] : memref<2x10496xi32, #tpu.memory_space<vmem>> -> memref<2x9984xi32, #tpu.memory_space<vmem>>
      %dma_wait3A_48 = arith.constant 0 : i32
      %dma_wait3A_49 = tpu.memref_slice %arg2[%dma_wait3A_48, %mul3A_2] : memref<2x320000xi32, #tpu.memory_space<hbm>> -> memref<2x9984xi32, #tpu.memory_space<hbm>>
      tpu.wait_dma2 semaphore(%run_scoped3A : memref<!tpu.dma_semaphore, #tpu.memory_space<semaphore_mem>>) src(%dma_wait3A_49 : memref<2x9984xi32, #tpu.memory_space<hbm>>) dst(%dma_wait3A_47 : memref<2x9984xi32, #tpu.memory_space<vmem>>)
      tpu.yield
    }) : () -> ()
    %eq3A = arith.constant 31 : i32
    %eq3A_3 = arith.cmpi eq, %add3A, %eq3A : i32
    %convert_element_type3A = arith.extui %eq3A_3 : i1 to i32
    %cond3A = arith.constant 0 : i32
    %cond3A_4 = arith.cmpi ne, %convert_element_type3A, %cond3A : i32
    scf.if %cond3A_4 {
      "tpu.region"() ({
        %run_scoped3A = tpu.sem_alloc : memref<!tpu.dma_semaphore, #tpu.memory_space<semaphore_mem>>
        %dma_start3A = arith.constant 0 : i32
        %dma_start3A_32 = arith.constant 9984 : i32
        %dma_start3A_33 = tpu.memref_slice %arg4[%dma_start3A, %dma_start3A_32] : memref<2x10496xi32, #tpu.memory_space<vmem>> -> memref<2x512xi32, #tpu.memory_space<vmem>>
        %dma_start3A_34 = arith.constant 0 : i32
        %dma_start3A_35 = arith.constant 319488 : i32
        %dma_start3A_36 = tpu.memref_slice %arg2[%dma_start3A_34, %dma_start3A_35] : memref<2x320000xi32, #tpu.memory_space<hbm>> -> memref<2x512xi32, #tpu.memory_space<hbm>>
        %dma_start3A_37 = arith.constant 0 : i32
        %dma_start3A_38 = arith.constant 9984 : i32
        %dma_start3A_39 = tpu.memref_slice %arg4[%dma_start3A_37, %dma_start3A_38] : memref<2x10496xi32, #tpu.memory_space<vmem>> -> memref<2x512xi32, #tpu.memory_space<vmem>>
        %dma_start3A_40 = arith.constant 0 : i32
        %dma_start3A_41 = arith.constant 319488 : i32
        %dma_start3A_42 = tpu.memref_slice %arg2[%dma_start3A_40, %dma_start3A_41] : memref<2x320000xi32, #tpu.memory_space<hbm>> -> memref<2x512xi32, #tpu.memory_space<hbm>>
        tpu.enqueue_dma source(%dma_start3A_42 : memref<2x512xi32, #tpu.memory_space<hbm>>) target(%dma_start3A_39 : memref<2x512xi32, #tpu.memory_space<vmem>>) target_semaphore(%run_scoped3A : memref<!tpu.dma_semaphore, #tpu.memory_space<semaphore_mem>>)
        %dma_wait3A = arith.constant 0 : i32
        %dma_wait3A_43 = arith.constant 9984 : i32
        %dma_wait3A_44 = tpu.memref_slice %arg4[%dma_wait3A, %dma_wait3A_43] : memref<2x10496xi32, #tpu.memory_space<vmem>> -> memref<2x512xi32, #tpu.memory_space<vmem>>
        %dma_wait3A_45 = arith.constant 0 : i32
        %dma_wait3A_46 = arith.constant 319488 : i32
        %dma_wait3A_47 = tpu.memref_slice %arg2[%dma_wait3A_45, %dma_wait3A_46] : memref<2x320000xi32, #tpu.memory_space<hbm>> -> memref<2x512xi32, #tpu.memory_space<hbm>>
        %dma_wait3A_48 = arith.constant 0 : i32
        %dma_wait3A_49 = arith.constant 9984 : i32
        %dma_wait3A_50 = tpu.memref_slice %arg4[%dma_wait3A_48, %dma_wait3A_49] : memref<2x10496xi32, #tpu.memory_space<vmem>> -> memref<2x512xi32, #tpu.memory_space<vmem>>
        %dma_wait3A_51 = arith.constant 0 : i32
        %dma_wait3A_52 = arith.constant 319488 : i32
        %dma_wait3A_53 = tpu.memref_slice %arg2[%dma_wait3A_51, %dma_wait3A_52] : memref<2x320000xi32, #tpu.memory_space<hbm>> -> memref<2x512xi32, #tpu.memory_space<hbm>>
        tpu.wait_dma2 semaphore(%run_scoped3A : memref<!tpu.dma_semaphore, #tpu.memory_space<semaphore_mem>>) src(%dma_wait3A_53 : memref<2x512xi32, #tpu.memory_space<hbm>>) dst(%dma_wait3A_50 : memref<2x512xi32, #tpu.memory_space<vmem>>)
        tpu.yield
      }) : () -> ()
    } else {
    }
    %broadcast_in_dim3A = arith.constant 0.000000e+00 : f32
    %broadcast_in_dim3A_5 = vector.broadcast %broadcast_in_dim3A : f32 to vector<16xf32>
    %scan3A = arith.constant 0 : i32
    %scan3A_6 = arith.constant 624 : i32
    %scan3A_7 = arith.addi %scan3A, %scan3A_6 : i32
    %scan3A_8 = arith.constant 8 : i32
    scf.for %scan3A_32 = %scan3A to %scan3A_7 step %scan3A_8  : i32 {
      %mul3A_33 = arith.constant 16 : i32
      %mul3A_34 = arith.muli %scan3A_32, %mul3A_33 : i32
      %add3A_35 = arith.constant 0 : i32
      %add3A_36 = arith.addi %add3A_35, %mul3A_34 : i32
      %swap3A_37 = arith.index_cast %add3A_36 : i32 to index
      %swap3A_38 = tpu.vector_load %arg5[%swap3A_37] {strides = array<i32>} : memref<10000xf32, #tpu.memory_space<vmem>>, vector<16xf32>,
      tpu.vector_store %arg5[%swap3A_37], %broadcast_in_dim3A_5 {strides = array<i32>} : memref<10000xf32, #tpu.memory_space<vmem>>, vector<16xf32>,
      %swap3A_39 = arith.index_cast %add3A_36 : i32 to index
      %swap3A_40 = tpu.vector_load %arg6[%swap3A_39] {strides = array<i32>} : memref<10000xf32, #tpu.memory_space<vmem>>, vector<16xf32>,
      tpu.vector_store %arg6[%swap3A_39], %broadcast_in_dim3A_5 {strides = array<i32>} : memref<10000xf32, #tpu.memory_space<vmem>>, vector<16xf32>,
      %scan3A_41 = arith.constant 1 : i32
      %scan3A_42 = arith.addi %scan3A_32, %scan3A_41 : i32
      %mul3A_43 = arith.constant 16 : i32
      %mul3A_44 = arith.muli %scan3A_42, %mul3A_43 : i32
      %add3A_45 = arith.constant 0 : i32
      %add3A_46 = arith.addi %add3A_45, %mul3A_44 : i32
      %swap3A_47 = arith.index_cast %add3A_46 : i32 to index
      %swap3A_48 = tpu.vector_load %arg5[%swap3A_47] {strides = array<i32>} : memref<10000xf32, #tpu.memory_space<vmem>>, vector<16xf32>,
      tpu.vector_store %arg5[%swap3A_47], %broadcast_in_dim3A_5 {strides = array<i32>} : memref<10000xf32, #tpu.memory_space<vmem>>, vector<16xf32>,
      %swap3A_49 = arith.index_cast %add3A_46 : i32 to index
      %swap3A_50 = tpu.vector_load %arg6[%swap3A_49] {strides = array<i32>} : memref<10000xf32, #tpu.memory_space<vmem>>, vector<16xf32>,
      tpu.vector_store %arg6[%swap3A_49], %broadcast_in_dim3A_5 {strides = array<i32>} : memref<10000xf32, #tpu.memory_space<vmem>>, vector<16xf32>,
      %scan3A_51 = arith.constant 2 : i32
      %scan3A_52 = arith.addi %scan3A_32, %scan3A_51 : i32
      %mul3A_53 = arith.constant 16 : i32
      %mul3A_54 = arith.muli %scan3A_52, %mul3A_53 : i32
      %add3A_55 = arith.constant 0 : i32
      %add3A_56 = arith.addi %add3A_55, %mul3A_54 : i32
      %swap3A_57 = arith.index_cast %add3A_56 : i32 to index
      %swap3A_58 = tpu.vector_load %arg5[%swap3A_57] {strides = array<i32>} : memref<10000xf32, #tpu.memory_space<vmem>>, vector<16xf32>,
      tpu.vector_store %arg5[%swap3A_57], %broadcast_in_dim3A_5 {strides = array<i32>} : memref<10000xf32, #tpu.memory_space<vmem>>, vector<16xf32>,
      %swap3A_59 = arith.index_cast %add3A_56 : i32 to index
      %swap3A_60 = tpu.vector_load %arg6[%swap3A_59] {strides = array<i32>} : memref<10000xf32, #tpu.memory_space<vmem>>, vector<16xf32>,
      tpu.vector_store %arg6[%swap3A_59], %broadcast_in_dim3A_5 {strides = array<i32>} : memref<10000xf32, #tpu.memory_space<vmem>>, vector<16xf32>,
      %scan3A_61 = arith.constant 3 : i32
      %scan3A_62 = arith.addi %scan3A_32, %scan3A_61 : i32
      %mul3A_63 = arith.constant 16 : i32
      %mul3A_64 = arith.muli %scan3A_62, %mul3A_63 : i32
      %add3A_65 = arith.constant 0 : i32
      %add3A_66 = arith.addi %add3A_65, %mul3A_64 : i32
      %swap3A_67 = arith.index_cast %add3A_66 : i32 to index
      %swap3A_68 = tpu.vector_load %arg5[%swap3A_67] {strides = array<i32>} : memref<10000xf32, #tpu.memory_space<vmem>>, vector<16xf32>,
      tpu.vector_store %arg5[%swap3A_67], %broadcast_in_dim3A_5 {strides = array<i32>} : memref<10000xf32, #tpu.memory_space<vmem>>, vector<16xf32>,
      %swap3A_69 = arith.index_cast %add3A_66 : i32 to index
      %swap3A_70 = tpu.vector_load %arg6[%swap3A_69] {strides = array<i32>} : memref<10000xf32, #tpu.memory_space<vmem>>, vector<16xf32>,
      tpu.vector_store %arg6[%swap3A_69], %broadcast_in_dim3A_5 {strides = array<i32>} : memref<10000xf32, #tpu.memory_space<vmem>>, vector<16xf32>,
      %scan3A_71 = arith.constant 4 : i32
      %scan3A_72 = arith.addi %scan3A_32, %scan3A_71 : i32
      %mul3A_73 = arith.constant 16 : i32
      %mul3A_74 = arith.muli %scan3A_72, %mul3A_73 : i32
      %add3A_75 = arith.constant 0 : i32
      %add3A_76 = arith.addi %add3A_75, %mul3A_74 : i32
      %swap3A_77 = arith.index_cast %add3A_76 : i32 to index
      %swap3A_78 = tpu.vector_load %arg5[%swap3A_77] {strides = array<i32>} : memref<10000xf32, #tpu.memory_space<vmem>>, vector<16xf32>,
      tpu.vector_store %arg5[%swap3A_77], %broadcast_in_dim3A_5 {strides = array<i32>} : memref<10000xf32, #tpu.memory_space<vmem>>, vector<16xf32>,
      %swap3A_79 = arith.index_cast %add3A_76 : i32 to index
      %swap3A_80 = tpu.vector_load %arg6[%swap3A_79] {strides = array<i32>} : memref<10000xf32, #tpu.memory_space<vmem>>, vector<16xf32>,
      tpu.vector_store %arg6[%swap3A_79], %broadcast_in_dim3A_5 {strides = array<i32>} : memref<10000xf32, #tpu.memory_space<vmem>>, vector<16xf32>,
      %scan3A_81 = arith.constant 5 : i32
      %scan3A_82 = arith.addi %scan3A_32, %scan3A_81 : i32
      %mul3A_83 = arith.constant 16 : i32
      %mul3A_84 = arith.muli %scan3A_82, %mul3A_83 : i32
      %add3A_85 = arith.constant 0 : i32
      %add3A_86 = arith.addi %add3A_85, %mul3A_84 : i32
      %swap3A_87 = arith.index_cast %add3A_86 : i32 to index
      %swap3A_88 = tpu.vector_load %arg5[%swap3A_87] {strides = array<i32>} : memref<10000xf32, #tpu.memory_space<vmem>>, vector<16xf32>,
      tpu.vector_store %arg5[%swap3A_87], %broadcast_in_dim3A_5 {strides = array<i32>} : memref<10000xf32, #tpu.memory_space<vmem>>, vector<16xf32>,
      %swap3A_89 = arith.index_cast %add3A_86 : i32 to index
      %swap3A_90 = tpu.vector_load %arg6[%swap3A_89] {strides = array<i32>} : memref<10000xf32, #tpu.memory_space<vmem>>, vector<16xf32>,
      tpu.vector_store %arg6[%swap3A_89], %broadcast_in_dim3A_5 {strides = array<i32>} : memref<10000xf32, #tpu.memory_space<vmem>>, vector<16xf32>,
      %scan3A_91 = arith.constant 6 : i32
      %scan3A_92 = arith.addi %scan3A_32, %scan3A_91 : i32
      %mul3A_93 = arith.constant 16 : i32
      %mul3A_94 = arith.muli %scan3A_92, %mul3A_93 : i32
      %add3A_95 = arith.constant 0 : i32
      %add3A_96 = arith.addi %add3A_95, %mul3A_94 : i32
      %swap3A_97 = arith.index_cast %add3A_96 : i32 to index
      %swap3A_98 = tpu.vector_load %arg5[%swap3A_97] {strides = array<i32>} : memref<10000xf32, #tpu.memory_space<vmem>>, vector<16xf32>,
      tpu.vector_store %arg5[%swap3A_97], %broadcast_in_dim3A_5 {strides = array<i32>} : memref<10000xf32, #tpu.memory_space<vmem>>, vector<16xf32>,
      %swap3A_99 = arith.index_cast %add3A_96 : i32 to index
      %swap3A_100 = tpu.vector_load %arg6[%swap3A_99] {strides = array<i32>} : memref<10000xf32, #tpu.memory_space<vmem>>, vector<16xf32>,
      tpu.vector_store %arg6[%swap3A_99], %broadcast_in_dim3A_5 {strides = array<i32>} : memref<10000xf32, #tpu.memory_space<vmem>>, vector<16xf32>,
      %scan3A_101 = arith.constant 7 : i32
      %scan3A_102 = arith.addi %scan3A_32, %scan3A_101 : i32
      %mul3A_103 = arith.constant 16 : i32
      %mul3A_104 = arith.muli %scan3A_102, %mul3A_103 : i32
      %add3A_105 = arith.constant 0 : i32
      %add3A_106 = arith.addi %add3A_105, %mul3A_104 : i32
      %swap3A_107 = arith.index_cast %add3A_106 : i32 to index
      %swap3A_108 = tpu.vector_load %arg5[%swap3A_107] {strides = array<i32>} : memref<10000xf32, #tpu.memory_space<vmem>>, vector<16xf32>,
      tpu.vector_store %arg5[%swap3A_107], %broadcast_in_dim3A_5 {strides = array<i32>} : memref<10000xf32, #tpu.memory_space<vmem>>, vector<16xf32>,
      %swap3A_109 = arith.index_cast %add3A_106 : i32 to index
      %swap3A_110 = tpu.vector_load %arg6[%swap3A_109] {strides = array<i32>} : memref<10000xf32, #tpu.memory_space<vmem>>, vector<16xf32>,
      tpu.vector_store %arg6[%swap3A_109], %broadcast_in_dim3A_5 {strides = array<i32>} : memref<10000xf32, #tpu.memory_space<vmem>>, vector<16xf32>,
    }
    %scan3A_9 = arith.constant 624 : i32
    %scan3A_10 = arith.addi %scan3A, %scan3A_9 : i32
    %mul3A_11 = arith.constant 16 : i32
    %mul3A_12 = arith.muli %scan3A_10, %mul3A_11 : i32
    %add3A_13 = arith.constant 0 : i32
    %add3A_14 = arith.addi %add3A_13, %mul3A_12 : i32
    %swap3A = arith.index_cast %add3A_14 : i32 to index
    %swap3A_15 = tpu.vector_load %arg5[%swap3A] {strides = array<i32>} : memref<10000xf32, #tpu.memory_space<vmem>>, vector<16xf32>,
    tpu.vector_store %arg5[%swap3A], %broadcast_in_dim3A_5 {strides = array<i32>} : memref<10000xf32, #tpu.memory_space<vmem>>, vector<16xf32>,
    %swap3A_16 = arith.index_cast %add3A_14 : i32 to index
    %swap3A_17 = tpu.vector_load %arg6[%swap3A_16] {strides = array<i32>} : memref<10000xf32, #tpu.memory_space<vmem>>, vector<16xf32>,
    tpu.vector_store %arg6[%swap3A_16], %broadcast_in_dim3A_5 {strides = array<i32>} : memref<10000xf32, #tpu.memory_space<vmem>>, vector<16xf32>,
    %scan3A_18 = arith.constant 625 : i32
    %broadcast_in_dim3A_19 = arith.constant 1.000000e+00 : f32
    %broadcast_in_dim3A_20 = vector.broadcast %broadcast_in_dim3A_19 : f32 to vector<16xf32>
    %parallel_loop3A = arith.constant 0 : i32
    %parallel_loop3A_21 = arith.constant 9984 : i32
    %parallel_loop3A_22 = arith.constant 16 : i32
    scf.for %parallel_loop3A_32 = %parallel_loop3A to %parallel_loop3A_21 step %parallel_loop3A_22  : i32 {
      %parallel_loop3A_33 = arith.constant 0 : i32
      %parallel_loop3A_34 = arith.index_cast %parallel_loop3A_33 : i32 to index
      %parallel_loop3A_35 = arith.index_cast %parallel_loop3A_32 : i32 to index
      %parallel_loop3A_36 = tpu.vector_load %arg4[%parallel_loop3A_34, %parallel_loop3A_35] {strides = array<i32>} : memref<2x10496xi32, #tpu.memory_space<vmem>>, vector<16xi32>,
      %parallel_loop3A_37 = arith.constant 1 : i32
      %parallel_loop3A_38 = arith.index_cast %parallel_loop3A_37 : i32 to index
      %parallel_loop3A_39 = arith.index_cast %parallel_loop3A_32 : i32 to index
      %parallel_loop3A_40 = tpu.vector_load %arg4[%parallel_loop3A_38, %parallel_loop3A_39] {strides = array<i32>} : memref<2x10496xi32, #tpu.memory_space<vmem>>, vector<16xi32>,
      tpu.vector_store_idx %arg5[%parallel_loop3A_36], %broadcast_in_dim3A_20 {add = true} : memref<10000xf32, #tpu.memory_space<vmem>>[vector<16xi32>], vector<16xf32>,
      tpu.vector_store_idx %arg6[%parallel_loop3A_40], %broadcast_in_dim3A_20 {add = true} : memref<10000xf32, #tpu.memory_space<vmem>>[vector<16xi32>], vector<16xf32>,
    } {sc.loop_unroll_factor = 8 : i64, sc.parallel_access}
    %convert_element_type3A_23 = arith.extui %eq3A_3 : i1 to i32
    %cond3A_24 = arith.constant 0 : i32
    %cond3A_25 = arith.cmpi ne, %convert_element_type3A_23, %cond3A_24 : i32
    scf.if %cond3A_25 {
      %scan3A_32 = arith.constant 0 : i32
      %scan3A_33 = arith.constant 32 : i32
      %scan3A_34 = arith.addi %scan3A_32, %scan3A_33 : i32
      %scan3A_35 = arith.constant 8 : i32
      scf.for %scan3A_37 = %scan3A_32 to %scan3A_34 step %scan3A_35  : i32 {
        %mul3A_38 = arith.constant 16 : i32
        %mul3A_39 = arith.muli %scan3A_37, %mul3A_38 : i32
        %add3A_40 = arith.constant 9984 : i32
        %add3A_41 = arith.addi %add3A_40, %mul3A_39 : i32
        %get3A = arith.constant 0 : i32
        %get3A_42 = arith.index_cast %get3A : i32 to index
        %get3A_43 = arith.index_cast %add3A_41 : i32 to index
        %get3A_44 = tpu.vector_load %arg4[%get3A_42, %get3A_43] {strides = array<i32>} : memref<2x10496xi32, #tpu.memory_space<vmem>>, vector<16xi32>,
        %get3A_45 = arith.constant 1 : i32
        %get3A_46 = arith.index_cast %get3A_45 : i32 to index
        %get3A_47 = arith.index_cast %add3A_41 : i32 to index
        %get3A_48 = tpu.vector_load %arg4[%get3A_46, %get3A_47] {strides = array<i32>} : memref<2x10496xi32, #tpu.memory_space<vmem>>, vector<16xi32>,
        tpu.vector_store_idx %arg5[%get3A_44], %broadcast_in_dim3A_20 {add = true} : memref<10000xf32, #tpu.memory_space<vmem>>[vector<16xi32>], vector<16xf32>,
        tpu.vector_store_idx %arg6[%get3A_48], %broadcast_in_dim3A_20 {add = true} : memref<10000xf32, #tpu.memory_space<vmem>>[vector<16xi32>], vector<16xf32>,
        %scan3A_49 = arith.constant 1 : i32
        %scan3A_50 = arith.addi %scan3A_37, %scan3A_49 : i32
        %mul3A_51 = arith.constant 16 : i32
        %mul3A_52 = arith.muli %scan3A_50, %mul3A_51 : i32
        %add3A_53 = arith.constant 9984 : i32
        %add3A_54 = arith.addi %add3A_53, %mul3A_52 : i32
        %get3A_55 = arith.constant 0 : i32
        %get3A_56 = arith.index_cast %get3A_55 : i32 to index
        %get3A_57 = arith.index_cast %add3A_54 : i32 to index
        %get3A_58 = tpu.vector_load %arg4[%get3A_56, %get3A_57] {strides = array<i32>} : memref<2x10496xi32, #tpu.memory_space<vmem>>, vector<16xi32>,
        %get3A_59 = arith.constant 1 : i32
        %get3A_60 = arith.index_cast %get3A_59 : i32 to index
        %get3A_61 = arith.index_cast %add3A_54 : i32 to index
        %get3A_62 = tpu.vector_load %arg4[%get3A_60, %get3A_61] {strides = array<i32>} : memref<2x10496xi32, #tpu.memory_space<vmem>>, vector<16xi32>,
        tpu.vector_store_idx %arg5[%get3A_58], %broadcast_in_dim3A_20 {add = true} : memref<10000xf32, #tpu.memory_space<vmem>>[vector<16xi32>], vector<16xf32>,
        tpu.vector_store_idx %arg6[%get3A_62], %broadcast_in_dim3A_20 {add = true} : memref<10000xf32, #tpu.memory_space<vmem>>[vector<16xi32>], vector<16xf32>,
        %scan3A_63 = arith.constant 2 : i32
        %scan3A_64 = arith.addi %scan3A_37, %scan3A_63 : i32
        %mul3A_65 = arith.constant 16 : i32
        %mul3A_66 = arith.muli %scan3A_64, %mul3A_65 : i32
        %add3A_67 = arith.constant 9984 : i32
        %add3A_68 = arith.addi %add3A_67, %mul3A_66 : i32
        %get3A_69 = arith.constant 0 : i32
        %get3A_70 = arith.index_cast %get3A_69 : i32 to index
        %get3A_71 = arith.index_cast %add3A_68 : i32 to index
        %get3A_72 = tpu.vector_load %arg4[%get3A_70, %get3A_71] {strides = array<i32>} : memref<2x10496xi32, #tpu.memory_space<vmem>>, vector<16xi32>,
        %get3A_73 = arith.constant 1 : i32
        %get3A_74 = arith.index_cast %get3A_73 : i32 to index
        %get3A_75 = arith.index_cast %add3A_68 : i32 to index
        %get3A_76 = tpu.vector_load %arg4[%get3A_74, %get3A_75] {strides = array<i32>} : memref<2x10496xi32, #tpu.memory_space<vmem>>, vector<16xi32>,
        tpu.vector_store_idx %arg5[%get3A_72], %broadcast_in_dim3A_20 {add = true} : memref<10000xf32, #tpu.memory_space<vmem>>[vector<16xi32>], vector<16xf32>,
        tpu.vector_store_idx %arg6[%get3A_76], %broadcast_in_dim3A_20 {add = true} : memref<10000xf32, #tpu.memory_space<vmem>>[vector<16xi32>], vector<16xf32>,
        %scan3A_77 = arith.constant 3 : i32
        %scan3A_78 = arith.addi %scan3A_37, %scan3A_77 : i32
        %mul3A_79 = arith.constant 16 : i32
        %mul3A_80 = arith.muli %scan3A_78, %mul3A_79 : i32
        %add3A_81 = arith.constant 9984 : i32
        %add3A_82 = arith.addi %add3A_81, %mul3A_80 : i32
        %get3A_83 = arith.constant 0 : i32
        %get3A_84 = arith.index_cast %get3A_83 : i32 to index
        %get3A_85 = arith.index_cast %add3A_82 : i32 to index
        %get3A_86 = tpu.vector_load %arg4[%get3A_84, %get3A_85] {strides = array<i32>} : memref<2x10496xi32, #tpu.memory_space<vmem>>, vector<16xi32>,
        %get3A_87 = arith.constant 1 : i32
        %get3A_88 = arith.index_cast %get3A_87 : i32 to index
        %get3A_89 = arith.index_cast %add3A_82 : i32 to index
        %get3A_90 = tpu.vector_load %arg4[%get3A_88, %get3A_89] {strides = array<i32>} : memref<2x10496xi32, #tpu.memory_space<vmem>>, vector<16xi32>,
        tpu.vector_store_idx %arg5[%get3A_86], %broadcast_in_dim3A_20 {add = true} : memref<10000xf32, #tpu.memory_space<vmem>>[vector<16xi32>], vector<16xf32>,
        tpu.vector_store_idx %arg6[%get3A_90], %broadcast_in_dim3A_20 {add = true} : memref<10000xf32, #tpu.memory_space<vmem>>[vector<16xi32>], vector<16xf32>,
        %scan3A_91 = arith.constant 4 : i32
        %scan3A_92 = arith.addi %scan3A_37, %scan3A_91 : i32
        %mul3A_93 = arith.constant 16 : i32
        %mul3A_94 = arith.muli %scan3A_92, %mul3A_93 : i32
        %add3A_95 = arith.constant 9984 : i32
        %add3A_96 = arith.addi %add3A_95, %mul3A_94 : i32
        %get3A_97 = arith.constant 0 : i32
        %get3A_98 = arith.index_cast %get3A_97 : i32 to index
        %get3A_99 = arith.index_cast %add3A_96 : i32 to index
        %get3A_100 = tpu.vector_load %arg4[%get3A_98, %get3A_99] {strides = array<i32>} : memref<2x10496xi32, #tpu.memory_space<vmem>>, vector<16xi32>,
        %get3A_101 = arith.constant 1 : i32
        %get3A_102 = arith.index_cast %get3A_101 : i32 to index
        %get3A_103 = arith.index_cast %add3A_96 : i32 to index
        %get3A_104 = tpu.vector_load %arg4[%get3A_102, %get3A_103] {strides = array<i32>} : memref<2x10496xi32, #tpu.memory_space<vmem>>, vector<16xi32>,
        tpu.vector_store_idx %arg5[%get3A_100], %broadcast_in_dim3A_20 {add = true} : memref<10000xf32, #tpu.memory_space<vmem>>[vector<16xi32>], vector<16xf32>,
        tpu.vector_store_idx %arg6[%get3A_104], %broadcast_in_dim3A_20 {add = true} : memref<10000xf32, #tpu.memory_space<vmem>>[vector<16xi32>], vector<16xf32>,
        %scan3A_105 = arith.constant 5 : i32
        %scan3A_106 = arith.addi %scan3A_37, %scan3A_105 : i32
        %mul3A_107 = arith.constant 16 : i32
        %mul3A_108 = arith.muli %scan3A_106, %mul3A_107 : i32
        %add3A_109 = arith.constant 9984 : i32
        %add3A_110 = arith.addi %add3A_109, %mul3A_108 : i32
        %get3A_111 = arith.constant 0 : i32
        %get3A_112 = arith.index_cast %get3A_111 : i32 to index
        %get3A_113 = arith.index_cast %add3A_110 : i32 to index
        %get3A_114 = tpu.vector_load %arg4[%get3A_112, %get3A_113] {strides = array<i32>} : memref<2x10496xi32, #tpu.memory_space<vmem>>, vector<16xi32>,
        %get3A_115 = arith.constant 1 : i32
        %get3A_116 = arith.index_cast %get3A_115 : i32 to index
        %get3A_117 = arith.index_cast %add3A_110 : i32 to index
        %get3A_118 = tpu.vector_load %arg4[%get3A_116, %get3A_117] {strides = array<i32>} : memref<2x10496xi32, #tpu.memory_space<vmem>>, vector<16xi32>,
        tpu.vector_store_idx %arg5[%get3A_114], %broadcast_in_dim3A_20 {add = true} : memref<10000xf32, #tpu.memory_space<vmem>>[vector<16xi32>], vector<16xf32>,
        tpu.vector_store_idx %arg6[%get3A_118], %broadcast_in_dim3A_20 {add = true} : memref<10000xf32, #tpu.memory_space<vmem>>[vector<16xi32>], vector<16xf32>,
        %scan3A_119 = arith.constant 6 : i32
        %scan3A_120 = arith.addi %scan3A_37, %scan3A_119 : i32
        %mul3A_121 = arith.constant 16 : i32
        %mul3A_122 = arith.muli %scan3A_120, %mul3A_121 : i32
        %add3A_123 = arith.constant 9984 : i32
        %add3A_124 = arith.addi %add3A_123, %mul3A_122 : i32
        %get3A_125 = arith.constant 0 : i32
        %get3A_126 = arith.index_cast %get3A_125 : i32 to index
        %get3A_127 = arith.index_cast %add3A_124 : i32 to index
        %get3A_128 = tpu.vector_load %arg4[%get3A_126, %get3A_127] {strides = array<i32>} : memref<2x10496xi32, #tpu.memory_space<vmem>>, vector<16xi32>,
        %get3A_129 = arith.constant 1 : i32
        %get3A_130 = arith.index_cast %get3A_129 : i32 to index
        %get3A_131 = arith.index_cast %add3A_124 : i32 to index
        %get3A_132 = tpu.vector_load %arg4[%get3A_130, %get3A_131] {strides = array<i32>} : memref<2x10496xi32, #tpu.memory_space<vmem>>, vector<16xi32>,
        tpu.vector_store_idx %arg5[%get3A_128], %broadcast_in_dim3A_20 {add = true} : memref<10000xf32, #tpu.memory_space<vmem>>[vector<16xi32>], vector<16xf32>,
        tpu.vector_store_idx %arg6[%get3A_132], %broadcast_in_dim3A_20 {add = true} : memref<10000xf32, #tpu.memory_space<vmem>>[vector<16xi32>], vector<16xf32>,
        %scan3A_133 = arith.constant 7 : i32
        %scan3A_134 = arith.addi %scan3A_37, %scan3A_133 : i32
        %mul3A_135 = arith.constant 16 : i32
        %mul3A_136 = arith.muli %scan3A_134, %mul3A_135 : i32
        %add3A_137 = arith.constant 9984 : i32
        %add3A_138 = arith.addi %add3A_137, %mul3A_136 : i32
        %get3A_139 = arith.constant 0 : i32
        %get3A_140 = arith.index_cast %get3A_139 : i32 to index
        %get3A_141 = arith.index_cast %add3A_138 : i32 to index
        %get3A_142 = tpu.vector_load %arg4[%get3A_140, %get3A_141] {strides = array<i32>} : memref<2x10496xi32, #tpu.memory_space<vmem>>, vector<16xi32>,
        %get3A_143 = arith.constant 1 : i32
        %get3A_144 = arith.index_cast %get3A_143 : i32 to index
        %get3A_145 = arith.index_cast %add3A_138 : i32 to index
        %get3A_146 = tpu.vector_load %arg4[%get3A_144, %get3A_145] {strides = array<i32>} : memref<2x10496xi32, #tpu.memory_space<vmem>>, vector<16xi32>,
        tpu.vector_store_idx %arg5[%get3A_142], %broadcast_in_dim3A_20 {add = true} : memref<10000xf32, #tpu.memory_space<vmem>>[vector<16xi32>], vector<16xf32>,
        tpu.vector_store_idx %arg6[%get3A_146], %broadcast_in_dim3A_20 {add = true} : memref<10000xf32, #tpu.memory_space<vmem>>[vector<16xi32>], vector<16xf32>,
      }
      %scan3A_36 = arith.constant 32 : i32
    } else {
    }
    %mul3A_26 = arith.constant 10000 : i32
    %mul3A_27 = arith.muli %add3A, %mul3A_26 : i32
    "tpu.region"() ({
      %run_scoped3A = tpu.sem_alloc : memref<!tpu.dma_semaphore, #tpu.memory_space<semaphore_mem>>
      %dma_start3A = tpu.memref_slice %arg3[%mul3A_27] : memref<640000xf32, #tpu.memory_space<hbm>> -> memref<10000xf32, #tpu.memory_space<hbm>>
      %dma_start3A_32 = tpu.memref_slice %arg3[%mul3A_27] : memref<640000xf32, #tpu.memory_space<hbm>> -> memref<10000xf32, #tpu.memory_space<hbm>>
      tpu.enqueue_dma source(%arg5 : memref<10000xf32, #tpu.memory_space<vmem>>) target(%dma_start3A_32 : memref<10000xf32, #tpu.memory_space<hbm>>) target_semaphore(%run_scoped3A : memref<!tpu.dma_semaphore, #tpu.memory_space<semaphore_mem>>)
      %dma_wait3A = tpu.memref_slice %arg3[%mul3A_27] : memref<640000xf32, #tpu.memory_space<hbm>> -> memref<10000xf32, #tpu.memory_space<hbm>>
      %dma_wait3A_33 = tpu.memref_slice %arg3[%mul3A_27] : memref<640000xf32, #tpu.memory_space<hbm>> -> memref<10000xf32, #tpu.memory_space<hbm>>
      tpu.wait_dma2 semaphore(%run_scoped3A : memref<!tpu.dma_semaphore, #tpu.memory_space<semaphore_mem>>) src(%arg5 : memref<10000xf32, #tpu.memory_space<vmem>>) dst(%dma_wait3A_33 : memref<10000xf32, #tpu.memory_space<hbm>>)
      tpu.yield
    }) : () -> ()
    %add3A_28 = arith.constant 32 : i32
    %add3A_29 = arith.addi %add3A_28, %add3A : i32
    %mul3A_30 = arith.constant 10000 : i32
    %mul3A_31 = arith.muli %add3A_29, %mul3A_30 : i32
    "tpu.region"() ({
      %run_scoped3A = tpu.sem_alloc : memref<!tpu.dma_semaphore, #tpu.memory_space<semaphore_mem>>
      %dma_start3A = tpu.memref_slice %arg3[%mul3A_31] : memref<640000xf32, #tpu.memory_space<hbm>> -> memref<10000xf32, #tpu.memory_space<hbm>>
      %dma_start3A_32 = tpu.memref_slice %arg3[%mul3A_31] : memref<640000xf32, #tpu.memory_space<hbm>> -> memref<10000xf32, #tpu.memory_space<hbm>>
      tpu.enqueue_dma source(%arg6 : memref<10000xf32, #tpu.memory_space<vmem>>) target(%dma_start3A_32 : memref<10000xf32, #tpu.memory_space<hbm>>) target_semaphore(%run_scoped3A : memref<!tpu.dma_semaphore, #tpu.memory_space<semaphore_mem>>)
      %dma_wait3A = tpu.memref_slice %arg3[%mul3A_31] : memref<640000xf32, #tpu.memory_space<hbm>> -> memref<10000xf32, #tpu.memory_space<hbm>>
      %dma_wait3A_33 = tpu.memref_slice %arg3[%mul3A_31] : memref<640000xf32, #tpu.memory_space<hbm>> -> memref<10000xf32, #tpu.memory_space<hbm>>
      tpu.wait_dma2 semaphore(%run_scoped3A : memref<!tpu.dma_semaphore, #tpu.memory_space<semaphore_mem>>) src(%arg6 : memref<10000xf32, #tpu.memory_space<vmem>>) dst(%dma_wait3A_33 : memref<10000xf32, #tpu.memory_space<hbm>>)
      tpu.yield
    }) : () -> ()
    return
  }
}

#map = affine_map<(d0, d1) -> (0)>
#map1 = affine_map<(d0, d1) -> (0, 0)>
module attributes {stable_mosaic.version = 14 : i64} {
  func.func @agg_kernel(%arg0: i32, %arg1: i32, %arg2: memref<20000xf32, #tpu.memory_space<hbm>>, %arg3: memref<2x320000xi32, #tpu.memory_space<hbm>>, %arg4: memref<640000xf32, #tpu.memory_space<hbm>>, %arg5: memref<2x10496xi32, #tpu.memory_space<vmem>>, %arg6: memref<20000xf32, #tpu.memory_space<vmem>>, %arg7: memref<20000xf32, #tpu.memory_space<vmem>>) attributes {dimension_semantics = [#tpu.dimension_semantics<core_parallel>, #tpu.dimension_semantics<subcore_parallel>], iteration_bounds = array<i64: 2, 16>, scalar_prefetch = 0 : i64, scratch_operands = 3 : i64, tpu.core_type = #tpu.core_type<sc_vector_subcore>, window_params = [{transform_indices = #map}, {transform_indices = #map1}, {transform_indices = #map}]} {
    %mul3A = arith.constant 16 : i32
    %mul3A_0 = arith.muli %arg0, %mul3A : i32
    %add3A = arith.addi %mul3A_0, %arg1 : i32
    %mul3A_1 = arith.constant 9984 : i32
    %mul3A_2 = arith.muli %add3A, %mul3A_1 : i32
    "tpu.region"() ({
      %run_scoped3A = tpu.sem_alloc : memref<!tpu.dma_semaphore, #tpu.memory_space<semaphore_mem>>
      tpu.enqueue_dma source(%arg2 : memref<20000xf32, #tpu.memory_space<hbm>>) target(%arg6 : memref<20000xf32, #tpu.memory_space<vmem>>) target_semaphore(%run_scoped3A : memref<!tpu.dma_semaphore, #tpu.memory_space<semaphore_mem>>)
      tpu.wait_dma2 semaphore(%run_scoped3A : memref<!tpu.dma_semaphore, #tpu.memory_space<semaphore_mem>>) src(%arg2 : memref<20000xf32, #tpu.memory_space<hbm>>) dst(%arg6 : memref<20000xf32, #tpu.memory_space<vmem>>)
      tpu.yield
    }) : () -> ()
    "tpu.region"() ({
      %run_scoped3A = tpu.sem_alloc : memref<!tpu.dma_semaphore, #tpu.memory_space<semaphore_mem>>
      %dma_start3A = arith.constant 0 : i32
      %dma_start3A_38 = arith.constant 0 : i32
      %dma_start3A_39 = tpu.memref_slice %arg5[%dma_start3A, %dma_start3A_38] : memref<2x10496xi32, #tpu.memory_space<vmem>> -> memref<2x9984xi32, #tpu.memory_space<vmem>>
      %dma_start3A_40 = arith.constant 0 : i32
      %dma_start3A_41 = tpu.memref_slice %arg3[%dma_start3A_40, %mul3A_2] : memref<2x320000xi32, #tpu.memory_space<hbm>> -> memref<2x9984xi32, #tpu.memory_space<hbm>>
      %dma_start3A_42 = arith.constant 0 : i32
      %dma_start3A_43 = arith.constant 0 : i32
      %dma_start3A_44 = tpu.memref_slice %arg5[%dma_start3A_42, %dma_start3A_43] : memref<2x10496xi32, #tpu.memory_space<vmem>> -> memref<2x9984xi32, #tpu.memory_space<vmem>>
      %dma_start3A_45 = arith.constant 0 : i32
      %dma_start3A_46 = tpu.memref_slice %arg3[%dma_start3A_45, %mul3A_2] : memref<2x320000xi32, #tpu.memory_space<hbm>> -> memref<2x9984xi32, #tpu.memory_space<hbm>>
      tpu.enqueue_dma source(%dma_start3A_46 : memref<2x9984xi32, #tpu.memory_space<hbm>>) target(%dma_start3A_44 : memref<2x9984xi32, #tpu.memory_space<vmem>>) target_semaphore(%run_scoped3A : memref<!tpu.dma_semaphore, #tpu.memory_space<semaphore_mem>>)
      %dma_wait3A = arith.constant 0 : i32
      %dma_wait3A_47 = arith.constant 0 : i32
      %dma_wait3A_48 = tpu.memref_slice %arg5[%dma_wait3A, %dma_wait3A_47] : memref<2x10496xi32, #tpu.memory_space<vmem>> -> memref<2x9984xi32, #tpu.memory_space<vmem>>
      %dma_wait3A_49 = arith.constant 0 : i32
      %dma_wait3A_50 = tpu.memref_slice %arg3[%dma_wait3A_49, %mul3A_2] : memref<2x320000xi32, #tpu.memory_space<hbm>> -> memref<2x9984xi32, #tpu.memory_space<hbm>>
      %dma_wait3A_51 = arith.constant 0 : i32
      %dma_wait3A_52 = arith.constant 0 : i32
      %dma_wait3A_53 = tpu.memref_slice %arg5[%dma_wait3A_51, %dma_wait3A_52] : memref<2x10496xi32, #tpu.memory_space<vmem>> -> memref<2x9984xi32, #tpu.memory_space<vmem>>
      %dma_wait3A_54 = arith.constant 0 : i32
      %dma_wait3A_55 = tpu.memref_slice %arg3[%dma_wait3A_54, %mul3A_2] : memref<2x320000xi32, #tpu.memory_space<hbm>> -> memref<2x9984xi32, #tpu.memory_space<hbm>>
      tpu.wait_dma2 semaphore(%run_scoped3A : memref<!tpu.dma_semaphore, #tpu.memory_space<semaphore_mem>>) src(%dma_wait3A_55 : memref<2x9984xi32, #tpu.memory_space<hbm>>) dst(%dma_wait3A_53 : memref<2x9984xi32, #tpu.memory_space<vmem>>)
      tpu.yield
    }) : () -> ()
    %eq3A = arith.constant 31 : i32
    %eq3A_3 = arith.cmpi eq, %add3A, %eq3A : i32
    %convert_element_type3A = arith.extui %eq3A_3 : i1 to i32
    %cond3A = arith.constant 0 : i32
    %cond3A_4 = arith.cmpi ne, %convert_element_type3A, %cond3A : i32
    scf.if %cond3A_4 {
      "tpu.region"() ({
        %run_scoped3A = tpu.sem_alloc : memref<!tpu.dma_semaphore, #tpu.memory_space<semaphore_mem>>
        %dma_start3A = arith.constant 0 : i32
        %dma_start3A_38 = arith.constant 9984 : i32
        %dma_start3A_39 = tpu.memref_slice %arg5[%dma_start3A, %dma_start3A_38] : memref<2x10496xi32, #tpu.memory_space<vmem>> -> memref<2x512xi32, #tpu.memory_space<vmem>>
        %dma_start3A_40 = arith.constant 0 : i32
        %dma_start3A_41 = arith.constant 319488 : i32
        %dma_start3A_42 = tpu.memref_slice %arg3[%dma_start3A_40, %dma_start3A_41] : memref<2x320000xi32, #tpu.memory_space<hbm>> -> memref<2x512xi32, #tpu.memory_space<hbm>>
        %dma_start3A_43 = arith.constant 0 : i32
        %dma_start3A_44 = arith.constant 9984 : i32
        %dma_start3A_45 = tpu.memref_slice %arg5[%dma_start3A_43, %dma_start3A_44] : memref<2x10496xi32, #tpu.memory_space<vmem>> -> memref<2x512xi32, #tpu.memory_space<vmem>>
        %dma_start3A_46 = arith.constant 0 : i32
        %dma_start3A_47 = arith.constant 319488 : i32
        %dma_start3A_48 = tpu.memref_slice %arg3[%dma_start3A_46, %dma_start3A_47] : memref<2x320000xi32, #tpu.memory_space<hbm>> -> memref<2x512xi32, #tpu.memory_space<hbm>>
        tpu.enqueue_dma source(%dma_start3A_48 : memref<2x512xi32, #tpu.memory_space<hbm>>) target(%dma_start3A_45 : memref<2x512xi32, #tpu.memory_space<vmem>>) target_semaphore(%run_scoped3A : memref<!tpu.dma_semaphore, #tpu.memory_space<semaphore_mem>>)
        %dma_wait3A = arith.constant 0 : i32
        %dma_wait3A_49 = arith.constant 9984 : i32
        %dma_wait3A_50 = tpu.memref_slice %arg5[%dma_wait3A, %dma_wait3A_49] : memref<2x10496xi32, #tpu.memory_space<vmem>> -> memref<2x512xi32, #tpu.memory_space<vmem>>
        %dma_wait3A_51 = arith.constant 0 : i32
        %dma_wait3A_52 = arith.constant 319488 : i32
        %dma_wait3A_53 = tpu.memref_slice %arg3[%dma_wait3A_51, %dma_wait3A_52] : memref<2x320000xi32, #tpu.memory_space<hbm>> -> memref<2x512xi32, #tpu.memory_space<hbm>>
        %dma_wait3A_54 = arith.constant 0 : i32
        %dma_wait3A_55 = arith.constant 9984 : i32
        %dma_wait3A_56 = tpu.memref_slice %arg5[%dma_wait3A_54, %dma_wait3A_55] : memref<2x10496xi32, #tpu.memory_space<vmem>> -> memref<2x512xi32, #tpu.memory_space<vmem>>
        %dma_wait3A_57 = arith.constant 0 : i32
        %dma_wait3A_58 = arith.constant 319488 : i32
        %dma_wait3A_59 = tpu.memref_slice %arg3[%dma_wait3A_57, %dma_wait3A_58] : memref<2x320000xi32, #tpu.memory_space<hbm>> -> memref<2x512xi32, #tpu.memory_space<hbm>>
        tpu.wait_dma2 semaphore(%run_scoped3A : memref<!tpu.dma_semaphore, #tpu.memory_space<semaphore_mem>>) src(%dma_wait3A_59 : memref<2x512xi32, #tpu.memory_space<hbm>>) dst(%dma_wait3A_56 : memref<2x512xi32, #tpu.memory_space<vmem>>)
        tpu.yield
      }) : () -> ()
    } else {
    }
    %broadcast_in_dim3A = arith.constant 0.000000e+00 : f32
    %broadcast_in_dim3A_5 = vector.broadcast %broadcast_in_dim3A : f32 to vector<16xf32>
    %scan3A = arith.constant 0 : i32
    %scan3A_6 = arith.constant 1248 : i32
    %scan3A_7 = arith.addi %scan3A, %scan3A_6 : i32
    %scan3A_8 = arith.constant 8 : i32
    scf.for %scan3A_38 = %scan3A to %scan3A_7 step %scan3A_8  : i32 {
      %mul3A_39 = arith.constant 16 : i32
      %mul3A_40 = arith.muli %scan3A_38, %mul3A_39 : i32
      %add3A_41 = arith.constant 0 : i32
      %add3A_42 = arith.addi %add3A_41, %mul3A_40 : i32
      %swap3A_43 = arith.index_cast %add3A_42 : i32 to index
      %swap3A_44 = tpu.vector_load %arg7[%swap3A_43] {strides = array<i32>} : memref<20000xf32, #tpu.memory_space<vmem>>, vector<16xf32>,
      tpu.vector_store %arg7[%swap3A_43], %broadcast_in_dim3A_5 {strides = array<i32>} : memref<20000xf32, #tpu.memory_space<vmem>>, vector<16xf32>,
      %scan3A_45 = arith.constant 1 : i32
      %scan3A_46 = arith.addi %scan3A_38, %scan3A_45 : i32
      %mul3A_47 = arith.constant 16 : i32
      %mul3A_48 = arith.muli %scan3A_46, %mul3A_47 : i32
      %add3A_49 = arith.constant 0 : i32
      %add3A_50 = arith.addi %add3A_49, %mul3A_48 : i32
      %swap3A_51 = arith.index_cast %add3A_50 : i32 to index
      %swap3A_52 = tpu.vector_load %arg7[%swap3A_51] {strides = array<i32>} : memref<20000xf32, #tpu.memory_space<vmem>>, vector<16xf32>,
      tpu.vector_store %arg7[%swap3A_51], %broadcast_in_dim3A_5 {strides = array<i32>} : memref<20000xf32, #tpu.memory_space<vmem>>, vector<16xf32>,
      %scan3A_53 = arith.constant 2 : i32
      %scan3A_54 = arith.addi %scan3A_38, %scan3A_53 : i32
      %mul3A_55 = arith.constant 16 : i32
      %mul3A_56 = arith.muli %scan3A_54, %mul3A_55 : i32
      %add3A_57 = arith.constant 0 : i32
      %add3A_58 = arith.addi %add3A_57, %mul3A_56 : i32
      %swap3A_59 = arith.index_cast %add3A_58 : i32 to index
      %swap3A_60 = tpu.vector_load %arg7[%swap3A_59] {strides = array<i32>} : memref<20000xf32, #tpu.memory_space<vmem>>, vector<16xf32>,
      tpu.vector_store %arg7[%swap3A_59], %broadcast_in_dim3A_5 {strides = array<i32>} : memref<20000xf32, #tpu.memory_space<vmem>>, vector<16xf32>,
      %scan3A_61 = arith.constant 3 : i32
      %scan3A_62 = arith.addi %scan3A_38, %scan3A_61 : i32
      %mul3A_63 = arith.constant 16 : i32
      %mul3A_64 = arith.muli %scan3A_62, %mul3A_63 : i32
      %add3A_65 = arith.constant 0 : i32
      %add3A_66 = arith.addi %add3A_65, %mul3A_64 : i32
      %swap3A_67 = arith.index_cast %add3A_66 : i32 to index
      %swap3A_68 = tpu.vector_load %arg7[%swap3A_67] {strides = array<i32>} : memref<20000xf32, #tpu.memory_space<vmem>>, vector<16xf32>,
      tpu.vector_store %arg7[%swap3A_67], %broadcast_in_dim3A_5 {strides = array<i32>} : memref<20000xf32, #tpu.memory_space<vmem>>, vector<16xf32>,
      %scan3A_69 = arith.constant 4 : i32
      %scan3A_70 = arith.addi %scan3A_38, %scan3A_69 : i32
      %mul3A_71 = arith.constant 16 : i32
      %mul3A_72 = arith.muli %scan3A_70, %mul3A_71 : i32
      %add3A_73 = arith.constant 0 : i32
      %add3A_74 = arith.addi %add3A_73, %mul3A_72 : i32
      %swap3A_75 = arith.index_cast %add3A_74 : i32 to index
      %swap3A_76 = tpu.vector_load %arg7[%swap3A_75] {strides = array<i32>} : memref<20000xf32, #tpu.memory_space<vmem>>, vector<16xf32>,
      tpu.vector_store %arg7[%swap3A_75], %broadcast_in_dim3A_5 {strides = array<i32>} : memref<20000xf32, #tpu.memory_space<vmem>>, vector<16xf32>,
      %scan3A_77 = arith.constant 5 : i32
      %scan3A_78 = arith.addi %scan3A_38, %scan3A_77 : i32
      %mul3A_79 = arith.constant 16 : i32
      %mul3A_80 = arith.muli %scan3A_78, %mul3A_79 : i32
      %add3A_81 = arith.constant 0 : i32
      %add3A_82 = arith.addi %add3A_81, %mul3A_80 : i32
      %swap3A_83 = arith.index_cast %add3A_82 : i32 to index
      %swap3A_84 = tpu.vector_load %arg7[%swap3A_83] {strides = array<i32>} : memref<20000xf32, #tpu.memory_space<vmem>>, vector<16xf32>,
      tpu.vector_store %arg7[%swap3A_83], %broadcast_in_dim3A_5 {strides = array<i32>} : memref<20000xf32, #tpu.memory_space<vmem>>, vector<16xf32>,
      %scan3A_85 = arith.constant 6 : i32
      %scan3A_86 = arith.addi %scan3A_38, %scan3A_85 : i32
      %mul3A_87 = arith.constant 16 : i32
      %mul3A_88 = arith.muli %scan3A_86, %mul3A_87 : i32
      %add3A_89 = arith.constant 0 : i32
      %add3A_90 = arith.addi %add3A_89, %mul3A_88 : i32
      %swap3A_91 = arith.index_cast %add3A_90 : i32 to index
      %swap3A_92 = tpu.vector_load %arg7[%swap3A_91] {strides = array<i32>} : memref<20000xf32, #tpu.memory_space<vmem>>, vector<16xf32>,
      tpu.vector_store %arg7[%swap3A_91], %broadcast_in_dim3A_5 {strides = array<i32>} : memref<20000xf32, #tpu.memory_space<vmem>>, vector<16xf32>,
      %scan3A_93 = arith.constant 7 : i32
      %scan3A_94 = arith.addi %scan3A_38, %scan3A_93 : i32
      %mul3A_95 = arith.constant 16 : i32
      %mul3A_96 = arith.muli %scan3A_94, %mul3A_95 : i32
      %add3A_97 = arith.constant 0 : i32
      %add3A_98 = arith.addi %add3A_97, %mul3A_96 : i32
      %swap3A_99 = arith.index_cast %add3A_98 : i32 to index
      %swap3A_100 = tpu.vector_load %arg7[%swap3A_99] {strides = array<i32>} : memref<20000xf32, #tpu.memory_space<vmem>>, vector<16xf32>,
      tpu.vector_store %arg7[%swap3A_99], %broadcast_in_dim3A_5 {strides = array<i32>} : memref<20000xf32, #tpu.memory_space<vmem>>, vector<16xf32>,
    }
    %scan3A_9 = arith.constant 1248 : i32
    %scan3A_10 = arith.addi %scan3A, %scan3A_9 : i32
    %mul3A_11 = arith.constant 16 : i32
    %mul3A_12 = arith.muli %scan3A_10, %mul3A_11 : i32
    %add3A_13 = arith.constant 0 : i32
    %add3A_14 = arith.addi %add3A_13, %mul3A_12 : i32
    %swap3A = arith.index_cast %add3A_14 : i32 to index
    %swap3A_15 = tpu.vector_load %arg7[%swap3A] {strides = array<i32>} : memref<20000xf32, #tpu.memory_space<vmem>>, vector<16xf32>,
    tpu.vector_store %arg7[%swap3A], %broadcast_in_dim3A_5 {strides = array<i32>} : memref<20000xf32, #tpu.memory_space<vmem>>, vector<16xf32>,
    %scan3A_16 = arith.constant 1249 : i32
    %scan3A_17 = arith.addi %scan3A, %scan3A_16 : i32
    %mul3A_18 = arith.constant 16 : i32
    %mul3A_19 = arith.muli %scan3A_17, %mul3A_18 : i32
    %add3A_20 = arith.constant 0 : i32
    %add3A_21 = arith.addi %add3A_20, %mul3A_19 : i32
    %swap3A_22 = arith.index_cast %add3A_21 : i32 to index
    %swap3A_23 = tpu.vector_load %arg7[%swap3A_22] {strides = array<i32>} : memref<20000xf32, #tpu.memory_space<vmem>>, vector<16xf32>,
    tpu.vector_store %arg7[%swap3A_22], %broadcast_in_dim3A_5 {strides = array<i32>} : memref<20000xf32, #tpu.memory_space<vmem>>, vector<16xf32>,
    %scan3A_24 = arith.constant 1250 : i32
    %broadcast_in_dim3A_25 = arith.constant 10000 : i32
    %broadcast_in_dim3A_26 = vector.broadcast %broadcast_in_dim3A_25 : i32 to vector<16xi32>
    %parallel_loop3A = arith.constant 0 : i32
    %parallel_loop3A_27 = arith.constant 9984 : i32
    %parallel_loop3A_28 = arith.constant 16 : i32
    scf.for %parallel_loop3A_38 = %parallel_loop3A to %parallel_loop3A_27 step %parallel_loop3A_28  : i32 {
      %parallel_loop3A_39 = arith.constant 0 : i32
      %parallel_loop3A_40 = arith.index_cast %parallel_loop3A_39 : i32 to index
      %parallel_loop3A_41 = arith.index_cast %parallel_loop3A_38 : i32 to index
      %parallel_loop3A_42 = tpu.vector_load %arg5[%parallel_loop3A_40, %parallel_loop3A_41] {strides = array<i32>} : memref<2x10496xi32, #tpu.memory_space<vmem>>, vector<16xi32>,
      %parallel_loop3A_43 = arith.constant 1 : i32
      %parallel_loop3A_44 = arith.index_cast %parallel_loop3A_43 : i32 to index
      %parallel_loop3A_45 = arith.index_cast %parallel_loop3A_38 : i32 to index
      %parallel_loop3A_46 = tpu.vector_load %arg5[%parallel_loop3A_44, %parallel_loop3A_45] {strides = array<i32>} : memref<2x10496xi32, #tpu.memory_space<vmem>>, vector<16xi32>,
      %parallel_loop3A_47 = tpu.vector_load_idx %arg6[%parallel_loop3A_42] : memref<20000xf32, #tpu.memory_space<vmem>>[vector<16xi32>], vector<16xf32>,
      %parallel_loop3A_48 = arith.addi %parallel_loop3A_42, %broadcast_in_dim3A_26 : vector<16xi32>
      %parallel_loop3A_49 = tpu.vector_load_idx %arg6[%parallel_loop3A_48] : memref<20000xf32, #tpu.memory_space<vmem>>[vector<16xi32>], vector<16xf32>,
      tpu.vector_store_idx %arg7[%parallel_loop3A_46], %parallel_loop3A_47 {add = true} : memref<20000xf32, #tpu.memory_space<vmem>>[vector<16xi32>], vector<16xf32>,
      %parallel_loop3A_50 = arith.addi %parallel_loop3A_46, %broadcast_in_dim3A_26 : vector<16xi32>
      tpu.vector_store_idx %arg7[%parallel_loop3A_50], %parallel_loop3A_49 {add = true} : memref<20000xf32, #tpu.memory_space<vmem>>[vector<16xi32>], vector<16xf32>,
    } {sc.loop_unroll_factor = 8 : i64, sc.parallel_access}
    %convert_element_type3A_29 = arith.extui %eq3A_3 : i1 to i32
    %cond3A_30 = arith.constant 0 : i32
    %cond3A_31 = arith.cmpi ne, %convert_element_type3A_29, %cond3A_30 : i32
    scf.if %cond3A_31 {
      %scan3A_38 = arith.constant 0 : i32
      %scan3A_39 = arith.constant 32 : i32
      %scan3A_40 = arith.addi %scan3A_38, %scan3A_39 : i32
      %scan3A_41 = arith.constant 8 : i32
      scf.for %scan3A_43 = %scan3A_38 to %scan3A_40 step %scan3A_41  : i32 {
        %mul3A_44 = arith.constant 16 : i32
        %mul3A_45 = arith.muli %scan3A_43, %mul3A_44 : i32
        %add3A_46 = arith.constant 9984 : i32
        %add3A_47 = arith.addi %add3A_46, %mul3A_45 : i32
        %get3A = arith.constant 0 : i32
        %get3A_48 = arith.index_cast %get3A : i32 to index
        %get3A_49 = arith.index_cast %add3A_47 : i32 to index
        %get3A_50 = tpu.vector_load %arg5[%get3A_48, %get3A_49] {strides = array<i32>} : memref<2x10496xi32, #tpu.memory_space<vmem>>, vector<16xi32>,
        %get3A_51 = arith.constant 1 : i32
        %get3A_52 = arith.index_cast %get3A_51 : i32 to index
        %get3A_53 = arith.index_cast %add3A_47 : i32 to index
        %get3A_54 = tpu.vector_load %arg5[%get3A_52, %get3A_53] {strides = array<i32>} : memref<2x10496xi32, #tpu.memory_space<vmem>>, vector<16xi32>,
        %gather3A = tpu.vector_load_idx %arg6[%get3A_50] : memref<20000xf32, #tpu.memory_space<vmem>>[vector<16xi32>], vector<16xf32>,
        %add3A_55 = arith.addi %get3A_50, %broadcast_in_dim3A_26 : vector<16xi32>
        %gather3A_56 = tpu.vector_load_idx %arg6[%add3A_55] : memref<20000xf32, #tpu.memory_space<vmem>>[vector<16xi32>], vector<16xf32>,
        tpu.vector_store_idx %arg7[%get3A_54], %gather3A {add = true} : memref<20000xf32, #tpu.memory_space<vmem>>[vector<16xi32>], vector<16xf32>,
        %add3A_57 = arith.addi %get3A_54, %broadcast_in_dim3A_26 : vector<16xi32>
        tpu.vector_store_idx %arg7[%add3A_57], %gather3A_56 {add = true} : memref<20000xf32, #tpu.memory_space<vmem>>[vector<16xi32>], vector<16xf32>,
        %scan3A_58 = arith.constant 1 : i32
        %scan3A_59 = arith.addi %scan3A_43, %scan3A_58 : i32
        %mul3A_60 = arith.constant 16 : i32
        %mul3A_61 = arith.muli %scan3A_59, %mul3A_60 : i32
        %add3A_62 = arith.constant 9984 : i32
        %add3A_63 = arith.addi %add3A_62, %mul3A_61 : i32
        %get3A_64 = arith.constant 0 : i32
        %get3A_65 = arith.index_cast %get3A_64 : i32 to index
        %get3A_66 = arith.index_cast %add3A_63 : i32 to index
        %get3A_67 = tpu.vector_load %arg5[%get3A_65, %get3A_66] {strides = array<i32>} : memref<2x10496xi32, #tpu.memory_space<vmem>>, vector<16xi32>,
        %get3A_68 = arith.constant 1 : i32
        %get3A_69 = arith.index_cast %get3A_68 : i32 to index
        %get3A_70 = arith.index_cast %add3A_63 : i32 to index
        %get3A_71 = tpu.vector_load %arg5[%get3A_69, %get3A_70] {strides = array<i32>} : memref<2x10496xi32, #tpu.memory_space<vmem>>, vector<16xi32>,
        %gather3A_72 = tpu.vector_load_idx %arg6[%get3A_67] : memref<20000xf32, #tpu.memory_space<vmem>>[vector<16xi32>], vector<16xf32>,
        %add3A_73 = arith.addi %get3A_67, %broadcast_in_dim3A_26 : vector<16xi32>
        %gather3A_74 = tpu.vector_load_idx %arg6[%add3A_73] : memref<20000xf32, #tpu.memory_space<vmem>>[vector<16xi32>], vector<16xf32>,
        tpu.vector_store_idx %arg7[%get3A_71], %gather3A_72 {add = true} : memref<20000xf32, #tpu.memory_space<vmem>>[vector<16xi32>], vector<16xf32>,
        %add3A_75 = arith.addi %get3A_71, %broadcast_in_dim3A_26 : vector<16xi32>
        tpu.vector_store_idx %arg7[%add3A_75], %gather3A_74 {add = true} : memref<20000xf32, #tpu.memory_space<vmem>>[vector<16xi32>], vector<16xf32>,
        %scan3A_76 = arith.constant 2 : i32
        %scan3A_77 = arith.addi %scan3A_43, %scan3A_76 : i32
        %mul3A_78 = arith.constant 16 : i32
        %mul3A_79 = arith.muli %scan3A_77, %mul3A_78 : i32
        %add3A_80 = arith.constant 9984 : i32
        %add3A_81 = arith.addi %add3A_80, %mul3A_79 : i32
        %get3A_82 = arith.constant 0 : i32
        %get3A_83 = arith.index_cast %get3A_82 : i32 to index
        %get3A_84 = arith.index_cast %add3A_81 : i32 to index
        %get3A_85 = tpu.vector_load %arg5[%get3A_83, %get3A_84] {strides = array<i32>} : memref<2x10496xi32, #tpu.memory_space<vmem>>, vector<16xi32>,
        %get3A_86 = arith.constant 1 : i32
        %get3A_87 = arith.index_cast %get3A_86 : i32 to index
        %get3A_88 = arith.index_cast %add3A_81 : i32 to index
        %get3A_89 = tpu.vector_load %arg5[%get3A_87, %get3A_88] {strides = array<i32>} : memref<2x10496xi32, #tpu.memory_space<vmem>>, vector<16xi32>,
        %gather3A_90 = tpu.vector_load_idx %arg6[%get3A_85] : memref<20000xf32, #tpu.memory_space<vmem>>[vector<16xi32>], vector<16xf32>,
        %add3A_91 = arith.addi %get3A_85, %broadcast_in_dim3A_26 : vector<16xi32>
        %gather3A_92 = tpu.vector_load_idx %arg6[%add3A_91] : memref<20000xf32, #tpu.memory_space<vmem>>[vector<16xi32>], vector<16xf32>,
        tpu.vector_store_idx %arg7[%get3A_89], %gather3A_90 {add = true} : memref<20000xf32, #tpu.memory_space<vmem>>[vector<16xi32>], vector<16xf32>,
        %add3A_93 = arith.addi %get3A_89, %broadcast_in_dim3A_26 : vector<16xi32>
        tpu.vector_store_idx %arg7[%add3A_93], %gather3A_92 {add = true} : memref<20000xf32, #tpu.memory_space<vmem>>[vector<16xi32>], vector<16xf32>,
        %scan3A_94 = arith.constant 3 : i32
        %scan3A_95 = arith.addi %scan3A_43, %scan3A_94 : i32
        %mul3A_96 = arith.constant 16 : i32
        %mul3A_97 = arith.muli %scan3A_95, %mul3A_96 : i32
        %add3A_98 = arith.constant 9984 : i32
        %add3A_99 = arith.addi %add3A_98, %mul3A_97 : i32
        %get3A_100 = arith.constant 0 : i32
        %get3A_101 = arith.index_cast %get3A_100 : i32 to index
        %get3A_102 = arith.index_cast %add3A_99 : i32 to index
        %get3A_103 = tpu.vector_load %arg5[%get3A_101, %get3A_102] {strides = array<i32>} : memref<2x10496xi32, #tpu.memory_space<vmem>>, vector<16xi32>,
        %get3A_104 = arith.constant 1 : i32
        %get3A_105 = arith.index_cast %get3A_104 : i32 to index
        %get3A_106 = arith.index_cast %add3A_99 : i32 to index
        %get3A_107 = tpu.vector_load %arg5[%get3A_105, %get3A_106] {strides = array<i32>} : memref<2x10496xi32, #tpu.memory_space<vmem>>, vector<16xi32>,
        %gather3A_108 = tpu.vector_load_idx %arg6[%get3A_103] : memref<20000xf32, #tpu.memory_space<vmem>>[vector<16xi32>], vector<16xf32>,
        %add3A_109 = arith.addi %get3A_103, %broadcast_in_dim3A_26 : vector<16xi32>
        %gather3A_110 = tpu.vector_load_idx %arg6[%add3A_109] : memref<20000xf32, #tpu.memory_space<vmem>>[vector<16xi32>], vector<16xf32>,
        tpu.vector_store_idx %arg7[%get3A_107], %gather3A_108 {add = true} : memref<20000xf32, #tpu.memory_space<vmem>>[vector<16xi32>], vector<16xf32>,
        %add3A_111 = arith.addi %get3A_107, %broadcast_in_dim3A_26 : vector<16xi32>
        tpu.vector_store_idx %arg7[%add3A_111], %gather3A_110 {add = true} : memref<20000xf32, #tpu.memory_space<vmem>>[vector<16xi32>], vector<16xf32>,
        %scan3A_112 = arith.constant 4 : i32
        %scan3A_113 = arith.addi %scan3A_43, %scan3A_112 : i32
        %mul3A_114 = arith.constant 16 : i32
        %mul3A_115 = arith.muli %scan3A_113, %mul3A_114 : i32
        %add3A_116 = arith.constant 9984 : i32
        %add3A_117 = arith.addi %add3A_116, %mul3A_115 : i32
        %get3A_118 = arith.constant 0 : i32
        %get3A_119 = arith.index_cast %get3A_118 : i32 to index
        %get3A_120 = arith.index_cast %add3A_117 : i32 to index
        %get3A_121 = tpu.vector_load %arg5[%get3A_119, %get3A_120] {strides = array<i32>} : memref<2x10496xi32, #tpu.memory_space<vmem>>, vector<16xi32>,
        %get3A_122 = arith.constant 1 : i32
        %get3A_123 = arith.index_cast %get3A_122 : i32 to index
        %get3A_124 = arith.index_cast %add3A_117 : i32 to index
        %get3A_125 = tpu.vector_load %arg5[%get3A_123, %get3A_124] {strides = array<i32>} : memref<2x10496xi32, #tpu.memory_space<vmem>>, vector<16xi32>,
        %gather3A_126 = tpu.vector_load_idx %arg6[%get3A_121] : memref<20000xf32, #tpu.memory_space<vmem>>[vector<16xi32>], vector<16xf32>,
        %add3A_127 = arith.addi %get3A_121, %broadcast_in_dim3A_26 : vector<16xi32>
        %gather3A_128 = tpu.vector_load_idx %arg6[%add3A_127] : memref<20000xf32, #tpu.memory_space<vmem>>[vector<16xi32>], vector<16xf32>,
        tpu.vector_store_idx %arg7[%get3A_125], %gather3A_126 {add = true} : memref<20000xf32, #tpu.memory_space<vmem>>[vector<16xi32>], vector<16xf32>,
        %add3A_129 = arith.addi %get3A_125, %broadcast_in_dim3A_26 : vector<16xi32>
        tpu.vector_store_idx %arg7[%add3A_129], %gather3A_128 {add = true} : memref<20000xf32, #tpu.memory_space<vmem>>[vector<16xi32>], vector<16xf32>,
        %scan3A_130 = arith.constant 5 : i32
        %scan3A_131 = arith.addi %scan3A_43, %scan3A_130 : i32
        %mul3A_132 = arith.constant 16 : i32
        %mul3A_133 = arith.muli %scan3A_131, %mul3A_132 : i32
        %add3A_134 = arith.constant 9984 : i32
        %add3A_135 = arith.addi %add3A_134, %mul3A_133 : i32
        %get3A_136 = arith.constant 0 : i32
        %get3A_137 = arith.index_cast %get3A_136 : i32 to index
        %get3A_138 = arith.index_cast %add3A_135 : i32 to index
        %get3A_139 = tpu.vector_load %arg5[%get3A_137, %get3A_138] {strides = array<i32>} : memref<2x10496xi32, #tpu.memory_space<vmem>>, vector<16xi32>,
        %get3A_140 = arith.constant 1 : i32
        %get3A_141 = arith.index_cast %get3A_140 : i32 to index
        %get3A_142 = arith.index_cast %add3A_135 : i32 to index
        %get3A_143 = tpu.vector_load %arg5[%get3A_141, %get3A_142] {strides = array<i32>} : memref<2x10496xi32, #tpu.memory_space<vmem>>, vector<16xi32>,
        %gather3A_144 = tpu.vector_load_idx %arg6[%get3A_139] : memref<20000xf32, #tpu.memory_space<vmem>>[vector<16xi32>], vector<16xf32>,
        %add3A_145 = arith.addi %get3A_139, %broadcast_in_dim3A_26 : vector<16xi32>
        %gather3A_146 = tpu.vector_load_idx %arg6[%add3A_145] : memref<20000xf32, #tpu.memory_space<vmem>>[vector<16xi32>], vector<16xf32>,
        tpu.vector_store_idx %arg7[%get3A_143], %gather3A_144 {add = true} : memref<20000xf32, #tpu.memory_space<vmem>>[vector<16xi32>], vector<16xf32>,
        %add3A_147 = arith.addi %get3A_143, %broadcast_in_dim3A_26 : vector<16xi32>
        tpu.vector_store_idx %arg7[%add3A_147], %gather3A_146 {add = true} : memref<20000xf32, #tpu.memory_space<vmem>>[vector<16xi32>], vector<16xf32>,
        %scan3A_148 = arith.constant 6 : i32
        %scan3A_149 = arith.addi %scan3A_43, %scan3A_148 : i32
        %mul3A_150 = arith.constant 16 : i32
        %mul3A_151 = arith.muli %scan3A_149, %mul3A_150 : i32
        %add3A_152 = arith.constant 9984 : i32
        %add3A_153 = arith.addi %add3A_152, %mul3A_151 : i32
        %get3A_154 = arith.constant 0 : i32
        %get3A_155 = arith.index_cast %get3A_154 : i32 to index
        %get3A_156 = arith.index_cast %add3A_153 : i32 to index
        %get3A_157 = tpu.vector_load %arg5[%get3A_155, %get3A_156] {strides = array<i32>} : memref<2x10496xi32, #tpu.memory_space<vmem>>, vector<16xi32>,
        %get3A_158 = arith.constant 1 : i32
        %get3A_159 = arith.index_cast %get3A_158 : i32 to index
        %get3A_160 = arith.index_cast %add3A_153 : i32 to index
        %get3A_161 = tpu.vector_load %arg5[%get3A_159, %get3A_160] {strides = array<i32>} : memref<2x10496xi32, #tpu.memory_space<vmem>>, vector<16xi32>,
        %gather3A_162 = tpu.vector_load_idx %arg6[%get3A_157] : memref<20000xf32, #tpu.memory_space<vmem>>[vector<16xi32>], vector<16xf32>,
        %add3A_163 = arith.addi %get3A_157, %broadcast_in_dim3A_26 : vector<16xi32>
        %gather3A_164 = tpu.vector_load_idx %arg6[%add3A_163] : memref<20000xf32, #tpu.memory_space<vmem>>[vector<16xi32>], vector<16xf32>,
        tpu.vector_store_idx %arg7[%get3A_161], %gather3A_162 {add = true} : memref<20000xf32, #tpu.memory_space<vmem>>[vector<16xi32>], vector<16xf32>,
        %add3A_165 = arith.addi %get3A_161, %broadcast_in_dim3A_26 : vector<16xi32>
        tpu.vector_store_idx %arg7[%add3A_165], %gather3A_164 {add = true} : memref<20000xf32, #tpu.memory_space<vmem>>[vector<16xi32>], vector<16xf32>,
        %scan3A_166 = arith.constant 7 : i32
        %scan3A_167 = arith.addi %scan3A_43, %scan3A_166 : i32
        %mul3A_168 = arith.constant 16 : i32
        %mul3A_169 = arith.muli %scan3A_167, %mul3A_168 : i32
        %add3A_170 = arith.constant 9984 : i32
        %add3A_171 = arith.addi %add3A_170, %mul3A_169 : i32
        %get3A_172 = arith.constant 0 : i32
        %get3A_173 = arith.index_cast %get3A_172 : i32 to index
        %get3A_174 = arith.index_cast %add3A_171 : i32 to index
        %get3A_175 = tpu.vector_load %arg5[%get3A_173, %get3A_174] {strides = array<i32>} : memref<2x10496xi32, #tpu.memory_space<vmem>>, vector<16xi32>,
        %get3A_176 = arith.constant 1 : i32
        %get3A_177 = arith.index_cast %get3A_176 : i32 to index
        %get3A_178 = arith.index_cast %add3A_171 : i32 to index
        %get3A_179 = tpu.vector_load %arg5[%get3A_177, %get3A_178] {strides = array<i32>} : memref<2x10496xi32, #tpu.memory_space<vmem>>, vector<16xi32>,
        %gather3A_180 = tpu.vector_load_idx %arg6[%get3A_175] : memref<20000xf32, #tpu.memory_space<vmem>>[vector<16xi32>], vector<16xf32>,
        %add3A_181 = arith.addi %get3A_175, %broadcast_in_dim3A_26 : vector<16xi32>
        %gather3A_182 = tpu.vector_load_idx %arg6[%add3A_181] : memref<20000xf32, #tpu.memory_space<vmem>>[vector<16xi32>], vector<16xf32>,
        tpu.vector_store_idx %arg7[%get3A_179], %gather3A_180 {add = true} : memref<20000xf32, #tpu.memory_space<vmem>>[vector<16xi32>], vector<16xf32>,
        %add3A_183 = arith.addi %get3A_179, %broadcast_in_dim3A_26 : vector<16xi32>
        tpu.vector_store_idx %arg7[%add3A_183], %gather3A_182 {add = true} : memref<20000xf32, #tpu.memory_space<vmem>>[vector<16xi32>], vector<16xf32>,
      }
      %scan3A_42 = arith.constant 32 : i32
    } else {
    }
    %mul3A_32 = arith.constant 10000 : i32
    %mul3A_33 = arith.muli %add3A, %mul3A_32 : i32
    "tpu.region"() ({
      %run_scoped3A = tpu.sem_alloc : memref<!tpu.dma_semaphore, #tpu.memory_space<semaphore_mem>>
      %dma_start3A = arith.constant 0 : i32
      %dma_start3A_38 = tpu.memref_slice %arg7[%dma_start3A] : memref<20000xf32, #tpu.memory_space<vmem>> -> memref<10000xf32, #tpu.memory_space<vmem>>
      %dma_start3A_39 = tpu.memref_slice %arg4[%mul3A_33] : memref<640000xf32, #tpu.memory_space<hbm>> -> memref<10000xf32, #tpu.memory_space<hbm>>
      %dma_start3A_40 = tpu.memref_slice %arg4[%mul3A_33] : memref<640000xf32, #tpu.memory_space<hbm>> -> memref<10000xf32, #tpu.memory_space<hbm>>
      %dma_start3A_41 = arith.constant 0 : i32
      %dma_start3A_42 = tpu.memref_slice %arg7[%dma_start3A_41] : memref<20000xf32, #tpu.memory_space<vmem>> -> memref<10000xf32, #tpu.memory_space<vmem>>
      tpu.enqueue_dma source(%dma_start3A_42 : memref<10000xf32, #tpu.memory_space<vmem>>) target(%dma_start3A_40 : memref<10000xf32, #tpu.memory_space<hbm>>) target_semaphore(%run_scoped3A : memref<!tpu.dma_semaphore, #tpu.memory_space<semaphore_mem>>)
      %dma_wait3A = arith.constant 0 : i32
      %dma_wait3A_43 = tpu.memref_slice %arg7[%dma_wait3A] : memref<20000xf32, #tpu.memory_space<vmem>> -> memref<10000xf32, #tpu.memory_space<vmem>>
      %dma_wait3A_44 = tpu.memref_slice %arg4[%mul3A_33] : memref<640000xf32, #tpu.memory_space<hbm>> -> memref<10000xf32, #tpu.memory_space<hbm>>
      %dma_wait3A_45 = tpu.memref_slice %arg4[%mul3A_33] : memref<640000xf32, #tpu.memory_space<hbm>> -> memref<10000xf32, #tpu.memory_space<hbm>>
      %dma_wait3A_46 = arith.constant 0 : i32
      %dma_wait3A_47 = tpu.memref_slice %arg7[%dma_wait3A_46] : memref<20000xf32, #tpu.memory_space<vmem>> -> memref<10000xf32, #tpu.memory_space<vmem>>
      tpu.wait_dma2 semaphore(%run_scoped3A : memref<!tpu.dma_semaphore, #tpu.memory_space<semaphore_mem>>) src(%dma_wait3A_47 : memref<10000xf32, #tpu.memory_space<vmem>>) dst(%dma_wait3A_45 : memref<10000xf32, #tpu.memory_space<hbm>>)
      tpu.yield
    }) : () -> ()
    %add3A_34 = arith.constant 32 : i32
    %add3A_35 = arith.addi %add3A_34, %add3A : i32
    %mul3A_36 = arith.constant 10000 : i32
    %mul3A_37 = arith.muli %add3A_35, %mul3A_36 : i32
    "tpu.region"() ({
      %run_scoped3A = tpu.sem_alloc : memref<!tpu.dma_semaphore, #tpu.memory_space<semaphore_mem>>
      %dma_start3A = arith.constant 10000 : i32
      %dma_start3A_38 = tpu.memref_slice %arg7[%dma_start3A] : memref<20000xf32, #tpu.memory_space<vmem>> -> memref<10000xf32, #tpu.memory_space<vmem>>
      %dma_start3A_39 = tpu.memref_slice %arg4[%mul3A_37] : memref<640000xf32, #tpu.memory_space<hbm>> -> memref<10000xf32, #tpu.memory_space<hbm>>
      %dma_start3A_40 = tpu.memref_slice %arg4[%mul3A_37] : memref<640000xf32, #tpu.memory_space<hbm>> -> memref<10000xf32, #tpu.memory_space<hbm>>
      %dma_start3A_41 = arith.constant 10000 : i32
      %dma_start3A_42 = tpu.memref_slice %arg7[%dma_start3A_41] : memref<20000xf32, #tpu.memory_space<vmem>> -> memref<10000xf32, #tpu.memory_space<vmem>>
      tpu.enqueue_dma source(%dma_start3A_42 : memref<10000xf32, #tpu.memory_space<vmem>>) target(%dma_start3A_40 : memref<10000xf32, #tpu.memory_space<hbm>>) target_semaphore(%run_scoped3A : memref<!tpu.dma_semaphore, #tpu.memory_space<semaphore_mem>>)
      %dma_wait3A = arith.constant 10000 : i32
      %dma_wait3A_43 = tpu.memref_slice %arg7[%dma_wait3A] : memref<20000xf32, #tpu.memory_space<vmem>> -> memref<10000xf32, #tpu.memory_space<vmem>>
      %dma_wait3A_44 = tpu.memref_slice %arg4[%mul3A_37] : memref<640000xf32, #tpu.memory_space<hbm>> -> memref<10000xf32, #tpu.memory_space<hbm>>
      %dma_wait3A_45 = tpu.memref_slice %arg4[%mul3A_37] : memref<640000xf32, #tpu.memory_space<hbm>> -> memref<10000xf32, #tpu.memory_space<hbm>>
      %dma_wait3A_46 = arith.constant 10000 : i32
      %dma_wait3A_47 = tpu.memref_slice %arg7[%dma_wait3A_46] : memref<20000xf32, #tpu.memory_space<vmem>> -> memref<10000xf32, #tpu.memory_space<vmem>>
      tpu.wait_dma2 semaphore(%run_scoped3A : memref<!tpu.dma_semaphore, #tpu.memory_space<semaphore_mem>>) src(%dma_wait3A_47 : memref<10000xf32, #tpu.memory_space<vmem>>) dst(%dma_wait3A_45 : memref<10000xf32, #tpu.memory_space<hbm>>)
      tpu.yield
    }) : () -> ()
    return
  }
}

module attributes {stable_mosaic.version = 14 : i64} {
  func.func @body(%arg0: memref<640000xf32, #tpu.memory_space<vmem>>, %arg1: memref<2x10000xf32, #tpu.memory_space<vmem>>, %arg2: memref<20000xf32, #tpu.memory_space<vmem>>, %arg3: memref<10000xf32, #tpu.memory_space<vmem>>) attributes {dimension_semantics = [], scalar_prefetch = 0 : i64, scratch_operands = 0 : i64, tpu.core_type = #tpu.core_type<tc>} {
    %get3A = arith.constant 0 : index
    %get3A_0 = vector.load %arg0[%get3A] : memref<640000xf32, #tpu.memory_space<vmem>>, vector<10000xf32>
    %get3A_1 = arith.constant 320000 : index
    %get3A_2 = vector.load %arg0[%get3A_1] : memref<640000xf32, #tpu.memory_space<vmem>>, vector<10000xf32>
    %get3A_3 = arith.constant 10000 : index
    %get3A_4 = vector.load %arg0[%get3A_3] : memref<640000xf32, #tpu.memory_space<vmem>>, vector<10000xf32>
    %add3A = arith.addf %get3A_0, %get3A_4 : vector<10000xf32>
    %get3A_5 = arith.constant 330000 : index
    %get3A_6 = vector.load %arg0[%get3A_5] : memref<640000xf32, #tpu.memory_space<vmem>>, vector<10000xf32>
    %add3A_7 = arith.addf %get3A_2, %get3A_6 : vector<10000xf32>
    %get3A_8 = arith.constant 20000 : index
    %get3A_9 = vector.load %arg0[%get3A_8] : memref<640000xf32, #tpu.memory_space<vmem>>, vector<10000xf32>
    %add3A_10 = arith.addf %add3A, %get3A_9 : vector<10000xf32>
    %get3A_11 = arith.constant 340000 : index
    %get3A_12 = vector.load %arg0[%get3A_11] : memref<640000xf32, #tpu.memory_space<vmem>>, vector<10000xf32>
    %add3A_13 = arith.addf %add3A_7, %get3A_12 : vector<10000xf32>
    %get3A_14 = arith.constant 30000 : index
    %get3A_15 = vector.load %arg0[%get3A_14] : memref<640000xf32, #tpu.memory_space<vmem>>, vector<10000xf32>
    %add3A_16 = arith.addf %add3A_10, %get3A_15 : vector<10000xf32>
    %get3A_17 = arith.constant 350000 : index
    %get3A_18 = vector.load %arg0[%get3A_17] : memref<640000xf32, #tpu.memory_space<vmem>>, vector<10000xf32>
    %add3A_19 = arith.addf %add3A_13, %get3A_18 : vector<10000xf32>
    %get3A_20 = arith.constant 40000 : index
    %get3A_21 = vector.load %arg0[%get3A_20] : memref<640000xf32, #tpu.memory_space<vmem>>, vector<10000xf32>
    %add3A_22 = arith.addf %add3A_16, %get3A_21 : vector<10000xf32>
    %get3A_23 = arith.constant 360000 : index
    %get3A_24 = vector.load %arg0[%get3A_23] : memref<640000xf32, #tpu.memory_space<vmem>>, vector<10000xf32>
    %add3A_25 = arith.addf %add3A_19, %get3A_24 : vector<10000xf32>
    %get3A_26 = arith.constant 50000 : index
    %get3A_27 = vector.load %arg0[%get3A_26] : memref<640000xf32, #tpu.memory_space<vmem>>, vector<10000xf32>
    %add3A_28 = arith.addf %add3A_22, %get3A_27 : vector<10000xf32>
    %get3A_29 = arith.constant 370000 : index
    %get3A_30 = vector.load %arg0[%get3A_29] : memref<640000xf32, #tpu.memory_space<vmem>>, vector<10000xf32>
    %add3A_31 = arith.addf %add3A_25, %get3A_30 : vector<10000xf32>
    %get3A_32 = arith.constant 60000 : index
    %get3A_33 = vector.load %arg0[%get3A_32] : memref<640000xf32, #tpu.memory_space<vmem>>, vector<10000xf32>
    %add3A_34 = arith.addf %add3A_28, %get3A_33 : vector<10000xf32>
    %get3A_35 = arith.constant 380000 : index
    %get3A_36 = vector.load %arg0[%get3A_35] : memref<640000xf32, #tpu.memory_space<vmem>>, vector<10000xf32>
    %add3A_37 = arith.addf %add3A_31, %get3A_36 : vector<10000xf32>
    %get3A_38 = arith.constant 70000 : index
    %get3A_39 = vector.load %arg0[%get3A_38] : memref<640000xf32, #tpu.memory_space<vmem>>, vector<10000xf32>
    %add3A_40 = arith.addf %add3A_34, %get3A_39 : vector<10000xf32>
    %get3A_41 = arith.constant 390000 : index
    %get3A_42 = vector.load %arg0[%get3A_41] : memref<640000xf32, #tpu.memory_space<vmem>>, vector<10000xf32>
    %add3A_43 = arith.addf %add3A_37, %get3A_42 : vector<10000xf32>
    %get3A_44 = arith.constant 80000 : index
    %get3A_45 = vector.load %arg0[%get3A_44] : memref<640000xf32, #tpu.memory_space<vmem>>, vector<10000xf32>
    %add3A_46 = arith.addf %add3A_40, %get3A_45 : vector<10000xf32>
    %get3A_47 = arith.constant 400000 : index
    %get3A_48 = vector.load %arg0[%get3A_47] : memref<640000xf32, #tpu.memory_space<vmem>>, vector<10000xf32>
    %add3A_49 = arith.addf %add3A_43, %get3A_48 : vector<10000xf32>
    %get3A_50 = arith.constant 90000 : index
    %get3A_51 = vector.load %arg0[%get3A_50] : memref<640000xf32, #tpu.memory_space<vmem>>, vector<10000xf32>
    %add3A_52 = arith.addf %add3A_46, %get3A_51 : vector<10000xf32>
    %get3A_53 = arith.constant 410000 : index
    %get3A_54 = vector.load %arg0[%get3A_53] : memref<640000xf32, #tpu.memory_space<vmem>>, vector<10000xf32>
    %add3A_55 = arith.addf %add3A_49, %get3A_54 : vector<10000xf32>
    %get3A_56 = arith.constant 100000 : index
    %get3A_57 = vector.load %arg0[%get3A_56] : memref<640000xf32, #tpu.memory_space<vmem>>, vector<10000xf32>
    %add3A_58 = arith.addf %add3A_52, %get3A_57 : vector<10000xf32>
    %get3A_59 = arith.constant 420000 : index
    %get3A_60 = vector.load %arg0[%get3A_59] : memref<640000xf32, #tpu.memory_space<vmem>>, vector<10000xf32>
    %add3A_61 = arith.addf %add3A_55, %get3A_60 : vector<10000xf32>
    %get3A_62 = arith.constant 110000 : index
    %get3A_63 = vector.load %arg0[%get3A_62] : memref<640000xf32, #tpu.memory_space<vmem>>, vector<10000xf32>
    %add3A_64 = arith.addf %add3A_58, %get3A_63 : vector<10000xf32>
    %get3A_65 = arith.constant 430000 : index
    %get3A_66 = vector.load %arg0[%get3A_65] : memref<640000xf32, #tpu.memory_space<vmem>>, vector<10000xf32>
    %add3A_67 = arith.addf %add3A_61, %get3A_66 : vector<10000xf32>
    %get3A_68 = arith.constant 120000 : index
    %get3A_69 = vector.load %arg0[%get3A_68] : memref<640000xf32, #tpu.memory_space<vmem>>, vector<10000xf32>
    %add3A_70 = arith.addf %add3A_64, %get3A_69 : vector<10000xf32>
    %get3A_71 = arith.constant 440000 : index
    %get3A_72 = vector.load %arg0[%get3A_71] : memref<640000xf32, #tpu.memory_space<vmem>>, vector<10000xf32>
    %add3A_73 = arith.addf %add3A_67, %get3A_72 : vector<10000xf32>
    %get3A_74 = arith.constant 130000 : index
    %get3A_75 = vector.load %arg0[%get3A_74] : memref<640000xf32, #tpu.memory_space<vmem>>, vector<10000xf32>
    %add3A_76 = arith.addf %add3A_70, %get3A_75 : vector<10000xf32>
    %get3A_77 = arith.constant 450000 : index
    %get3A_78 = vector.load %arg0[%get3A_77] : memref<640000xf32, #tpu.memory_space<vmem>>, vector<10000xf32>
    %add3A_79 = arith.addf %add3A_73, %get3A_78 : vector<10000xf32>
    %get3A_80 = arith.constant 140000 : index
    %get3A_81 = vector.load %arg0[%get3A_80] : memref<640000xf32, #tpu.memory_space<vmem>>, vector<10000xf32>
    %add3A_82 = arith.addf %add3A_76, %get3A_81 : vector<10000xf32>
    %get3A_83 = arith.constant 460000 : index
    %get3A_84 = vector.load %arg0[%get3A_83] : memref<640000xf32, #tpu.memory_space<vmem>>, vector<10000xf32>
    %add3A_85 = arith.addf %add3A_79, %get3A_84 : vector<10000xf32>
    %get3A_86 = arith.constant 150000 : index
    %get3A_87 = vector.load %arg0[%get3A_86] : memref<640000xf32, #tpu.memory_space<vmem>>, vector<10000xf32>
    %add3A_88 = arith.addf %add3A_82, %get3A_87 : vector<10000xf32>
    %get3A_89 = arith.constant 470000 : index
    %get3A_90 = vector.load %arg0[%get3A_89] : memref<640000xf32, #tpu.memory_space<vmem>>, vector<10000xf32>
    %add3A_91 = arith.addf %add3A_85, %get3A_90 : vector<10000xf32>
    %get3A_92 = arith.constant 160000 : index
    %get3A_93 = vector.load %arg0[%get3A_92] : memref<640000xf32, #tpu.memory_space<vmem>>, vector<10000xf32>
    %add3A_94 = arith.addf %add3A_88, %get3A_93 : vector<10000xf32>
    %get3A_95 = arith.constant 480000 : index
    %get3A_96 = vector.load %arg0[%get3A_95] : memref<640000xf32, #tpu.memory_space<vmem>>, vector<10000xf32>
    %add3A_97 = arith.addf %add3A_91, %get3A_96 : vector<10000xf32>
    %get3A_98 = arith.constant 170000 : index
    %get3A_99 = vector.load %arg0[%get3A_98] : memref<640000xf32, #tpu.memory_space<vmem>>, vector<10000xf32>
    %add3A_100 = arith.addf %add3A_94, %get3A_99 : vector<10000xf32>
    %get3A_101 = arith.constant 490000 : index
    %get3A_102 = vector.load %arg0[%get3A_101] : memref<640000xf32, #tpu.memory_space<vmem>>, vector<10000xf32>
    %add3A_103 = arith.addf %add3A_97, %get3A_102 : vector<10000xf32>
    %get3A_104 = arith.constant 180000 : index
    %get3A_105 = vector.load %arg0[%get3A_104] : memref<640000xf32, #tpu.memory_space<vmem>>, vector<10000xf32>
    %add3A_106 = arith.addf %add3A_100, %get3A_105 : vector<10000xf32>
    %get3A_107 = arith.constant 500000 : index
    %get3A_108 = vector.load %arg0[%get3A_107] : memref<640000xf32, #tpu.memory_space<vmem>>, vector<10000xf32>
    %add3A_109 = arith.addf %add3A_103, %get3A_108 : vector<10000xf32>
    %get3A_110 = arith.constant 190000 : index
    %get3A_111 = vector.load %arg0[%get3A_110] : memref<640000xf32, #tpu.memory_space<vmem>>, vector<10000xf32>
    %add3A_112 = arith.addf %add3A_106, %get3A_111 : vector<10000xf32>
    %get3A_113 = arith.constant 510000 : index
    %get3A_114 = vector.load %arg0[%get3A_113] : memref<640000xf32, #tpu.memory_space<vmem>>, vector<10000xf32>
    %add3A_115 = arith.addf %add3A_109, %get3A_114 : vector<10000xf32>
    %get3A_116 = arith.constant 200000 : index
    %get3A_117 = vector.load %arg0[%get3A_116] : memref<640000xf32, #tpu.memory_space<vmem>>, vector<10000xf32>
    %add3A_118 = arith.addf %add3A_112, %get3A_117 : vector<10000xf32>
    %get3A_119 = arith.constant 520000 : index
    %get3A_120 = vector.load %arg0[%get3A_119] : memref<640000xf32, #tpu.memory_space<vmem>>, vector<10000xf32>
    %add3A_121 = arith.addf %add3A_115, %get3A_120 : vector<10000xf32>
    %get3A_122 = arith.constant 210000 : index
    %get3A_123 = vector.load %arg0[%get3A_122] : memref<640000xf32, #tpu.memory_space<vmem>>, vector<10000xf32>
    %add3A_124 = arith.addf %add3A_118, %get3A_123 : vector<10000xf32>
    %get3A_125 = arith.constant 530000 : index
    %get3A_126 = vector.load %arg0[%get3A_125] : memref<640000xf32, #tpu.memory_space<vmem>>, vector<10000xf32>
    %add3A_127 = arith.addf %add3A_121, %get3A_126 : vector<10000xf32>
    %get3A_128 = arith.constant 220000 : index
    %get3A_129 = vector.load %arg0[%get3A_128] : memref<640000xf32, #tpu.memory_space<vmem>>, vector<10000xf32>
    %add3A_130 = arith.addf %add3A_124, %get3A_129 : vector<10000xf32>
    %get3A_131 = arith.constant 540000 : index
    %get3A_132 = vector.load %arg0[%get3A_131] : memref<640000xf32, #tpu.memory_space<vmem>>, vector<10000xf32>
    %add3A_133 = arith.addf %add3A_127, %get3A_132 : vector<10000xf32>
    %get3A_134 = arith.constant 230000 : index
    %get3A_135 = vector.load %arg0[%get3A_134] : memref<640000xf32, #tpu.memory_space<vmem>>, vector<10000xf32>
    %add3A_136 = arith.addf %add3A_130, %get3A_135 : vector<10000xf32>
    %get3A_137 = arith.constant 550000 : index
    %get3A_138 = vector.load %arg0[%get3A_137] : memref<640000xf32, #tpu.memory_space<vmem>>, vector<10000xf32>
    %add3A_139 = arith.addf %add3A_133, %get3A_138 : vector<10000xf32>
    %get3A_140 = arith.constant 240000 : index
    %get3A_141 = vector.load %arg0[%get3A_140] : memref<640000xf32, #tpu.memory_space<vmem>>, vector<10000xf32>
    %add3A_142 = arith.addf %add3A_136, %get3A_141 : vector<10000xf32>
    %get3A_143 = arith.constant 560000 : index
    %get3A_144 = vector.load %arg0[%get3A_143] : memref<640000xf32, #tpu.memory_space<vmem>>, vector<10000xf32>
    %add3A_145 = arith.addf %add3A_139, %get3A_144 : vector<10000xf32>
    %get3A_146 = arith.constant 250000 : index
    %get3A_147 = vector.load %arg0[%get3A_146] : memref<640000xf32, #tpu.memory_space<vmem>>, vector<10000xf32>
    %add3A_148 = arith.addf %add3A_142, %get3A_147 : vector<10000xf32>
    %get3A_149 = arith.constant 570000 : index
    %get3A_150 = vector.load %arg0[%get3A_149] : memref<640000xf32, #tpu.memory_space<vmem>>, vector<10000xf32>
    %add3A_151 = arith.addf %add3A_145, %get3A_150 : vector<10000xf32>
    %get3A_152 = arith.constant 260000 : index
    %get3A_153 = vector.load %arg0[%get3A_152] : memref<640000xf32, #tpu.memory_space<vmem>>, vector<10000xf32>
    %add3A_154 = arith.addf %add3A_148, %get3A_153 : vector<10000xf32>
    %get3A_155 = arith.constant 580000 : index
    %get3A_156 = vector.load %arg0[%get3A_155] : memref<640000xf32, #tpu.memory_space<vmem>>, vector<10000xf32>
    %add3A_157 = arith.addf %add3A_151, %get3A_156 : vector<10000xf32>
    %get3A_158 = arith.constant 270000 : index
    %get3A_159 = vector.load %arg0[%get3A_158] : memref<640000xf32, #tpu.memory_space<vmem>>, vector<10000xf32>
    %add3A_160 = arith.addf %add3A_154, %get3A_159 : vector<10000xf32>
    %get3A_161 = arith.constant 590000 : index
    %get3A_162 = vector.load %arg0[%get3A_161] : memref<640000xf32, #tpu.memory_space<vmem>>, vector<10000xf32>
    %add3A_163 = arith.addf %add3A_157, %get3A_162 : vector<10000xf32>
    %get3A_164 = arith.constant 280000 : index
    %get3A_165 = vector.load %arg0[%get3A_164] : memref<640000xf32, #tpu.memory_space<vmem>>, vector<10000xf32>
    %add3A_166 = arith.addf %add3A_160, %get3A_165 : vector<10000xf32>
    %get3A_167 = arith.constant 600000 : index
    %get3A_168 = vector.load %arg0[%get3A_167] : memref<640000xf32, #tpu.memory_space<vmem>>, vector<10000xf32>
    %add3A_169 = arith.addf %add3A_163, %get3A_168 : vector<10000xf32>
    %get3A_170 = arith.constant 290000 : index
    %get3A_171 = vector.load %arg0[%get3A_170] : memref<640000xf32, #tpu.memory_space<vmem>>, vector<10000xf32>
    %add3A_172 = arith.addf %add3A_166, %get3A_171 : vector<10000xf32>
    %get3A_173 = arith.constant 610000 : index
    %get3A_174 = vector.load %arg0[%get3A_173] : memref<640000xf32, #tpu.memory_space<vmem>>, vector<10000xf32>
    %add3A_175 = arith.addf %add3A_169, %get3A_174 : vector<10000xf32>
    %get3A_176 = arith.constant 300000 : index
    %get3A_177 = vector.load %arg0[%get3A_176] : memref<640000xf32, #tpu.memory_space<vmem>>, vector<10000xf32>
    %add3A_178 = arith.addf %add3A_172, %get3A_177 : vector<10000xf32>
    %get3A_179 = arith.constant 620000 : index
    %get3A_180 = vector.load %arg0[%get3A_179] : memref<640000xf32, #tpu.memory_space<vmem>>, vector<10000xf32>
    %add3A_181 = arith.addf %add3A_175, %get3A_180 : vector<10000xf32>
    %get3A_182 = arith.constant 310000 : index
    %get3A_183 = vector.load %arg0[%get3A_182] : memref<640000xf32, #tpu.memory_space<vmem>>, vector<10000xf32>
    %add3A_184 = arith.addf %add3A_178, %get3A_183 : vector<10000xf32>
    %get3A_185 = arith.constant 630000 : index
    %get3A_186 = vector.load %arg0[%get3A_185] : memref<640000xf32, #tpu.memory_space<vmem>>, vector<10000xf32>
    %add3A_187 = arith.addf %add3A_181, %get3A_186 : vector<10000xf32>
    %max3A = arith.constant 1.000000e+00 : f32
    %max3A_188 = vector.broadcast %max3A : f32 to vector<10000xf32>
    %max3A_189 = arith.maximumf %add3A_184, %max3A_188 : vector<10000xf32>
    %max3A_190 = arith.constant 1.000000e+00 : f32
    %max3A_191 = vector.broadcast %max3A_190 : f32 to vector<10000xf32>
    %max3A_192 = arith.maximumf %add3A_187, %max3A_191 : vector<10000xf32>
    %rsqrt3A = math.rsqrt %max3A_189 : vector<10000xf32>
    %rsqrt3A_193 = math.rsqrt %max3A_192 : vector<10000xf32>
    %mul3A = arith.constant 5.000000e-01 : f32
    %mul3A_194 = vector.broadcast %mul3A : f32 to vector<10000xf32>
    %mul3A_195 = arith.mulf %mul3A_194, %max3A_189 : vector<10000xf32>
    %mul3A_196 = arith.mulf %mul3A_195, %rsqrt3A : vector<10000xf32>
    %mul3A_197 = arith.mulf %mul3A_196, %rsqrt3A : vector<10000xf32>
    %sub3A = arith.constant 1.500000e+00 : f32
    %sub3A_198 = vector.broadcast %sub3A : f32 to vector<10000xf32>
    %sub3A_199 = arith.subf %sub3A_198, %mul3A_197 : vector<10000xf32>
    %mul3A_200 = arith.mulf %rsqrt3A, %sub3A_199 : vector<10000xf32>
    %mul3A_201 = arith.constant 5.000000e-01 : f32
    %mul3A_202 = vector.broadcast %mul3A_201 : f32 to vector<10000xf32>
    %mul3A_203 = arith.mulf %mul3A_202, %max3A_192 : vector<10000xf32>
    %mul3A_204 = arith.mulf %mul3A_203, %rsqrt3A_193 : vector<10000xf32>
    %mul3A_205 = arith.mulf %mul3A_204, %rsqrt3A_193 : vector<10000xf32>
    %sub3A_206 = arith.constant 1.500000e+00 : f32
    %sub3A_207 = vector.broadcast %sub3A_206 : f32 to vector<10000xf32>
    %sub3A_208 = arith.subf %sub3A_207, %mul3A_205 : vector<10000xf32>
    %mul3A_209 = arith.mulf %rsqrt3A_193, %sub3A_208 : vector<10000xf32>
    %swap3A = arith.constant 0 : index
    %swap3A_210 = vector.load %arg3[%swap3A] : memref<10000xf32, #tpu.memory_space<vmem>>, vector<10000xf32>
    tpu.vector_store %arg3[%swap3A], %mul3A_209 {strides = array<i32>} : memref<10000xf32, #tpu.memory_space<vmem>>, vector<10000xf32>,
    %get3A_211 = arith.constant 0 : index
    %get3A_212 = arith.constant 0 : index
    %get3A_213 = vector.load %arg1[%get3A_211, %get3A_212] : memref<2x10000xf32, #tpu.memory_space<vmem>>, vector<2x10000xf32>
    %slice3A = vector.extract_strided_slice %get3A_213 {offsets = [0, 0], sizes = [1, 10000], strides = [1, 1]} : vector<2x10000xf32> to vector<1x10000xf32>
    %squeeze3A = vector.shape_cast %slice3A : vector<1x10000xf32> to vector<10000xf32>
    %mul3A_214 = arith.mulf %squeeze3A, %mul3A_200 : vector<10000xf32>
    %swap3A_215 = arith.constant 0 : index
    %swap3A_216 = vector.load %arg2[%swap3A_215] : memref<20000xf32, #tpu.memory_space<vmem>>, vector<10000xf32>
    tpu.vector_store %arg2[%swap3A_215], %mul3A_214 {strides = array<i32>} : memref<20000xf32, #tpu.memory_space<vmem>>, vector<10000xf32>,
    %slice3A_217 = vector.extract_strided_slice %get3A_213 {offsets = [1, 0], sizes = [1, 10000], strides = [1, 1]} : vector<2x10000xf32> to vector<1x10000xf32>
    %squeeze3A_218 = vector.shape_cast %slice3A_217 : vector<1x10000xf32> to vector<10000xf32>
    %mul3A_219 = arith.mulf %squeeze3A_218, %mul3A_200 : vector<10000xf32>
    %swap3A_220 = arith.constant 10000 : index
    %swap3A_221 = vector.load %arg2[%swap3A_220] : memref<20000xf32, #tpu.memory_space<vmem>>, vector<10000xf32>
    tpu.vector_store %arg2[%swap3A_220], %mul3A_219 {strides = array<i32>} : memref<20000xf32, #tpu.memory_space<vmem>>, vector<10000xf32>,
    return
  }
}

module attributes {stable_mosaic.version = 14 : i64} {
  func.func @body(%arg0: memref<10000x128xf32, #tpu.memory_space<vmem>>, %arg1: memref<128x2xf32, #tpu.memory_space<vmem>>, %arg2: memref<2x10000xf32, #tpu.memory_space<vmem>>) attributes {dimension_semantics = [], scalar_prefetch = 0 : i64, scratch_operands = 0 : i64, tpu.core_type = #tpu.core_type<tc>} {
    %get3A = arith.constant 0 : index
    %get3A_0 = arith.constant 0 : index
    %get3A_1 = vector.load %arg1[%get3A, %get3A_0] : memref<128x2xf32, #tpu.memory_space<vmem>>, vector<128x2xf32>
    %get3A_2 = arith.constant 0 : index
    %get3A_3 = arith.constant 0 : index
    %get3A_4 = vector.load %arg0[%get3A_2, %get3A_3] : memref<10000x128xf32, #tpu.memory_space<vmem>>, vector<10000x128xf32>
    %dot_general3A = arith.constant dense<0.000000e+00> : vector<2x10000xf32>
    %dot_general3A_5 = tpu.matmul %get3A_1, %get3A_4, %dot_general3A {dimension_numbers = #tpu.dot_dimension_numbers<[0], [1], [1], [0], [0, 1, 1, 0], [], []>, precision = #tpu.contract_precision<fp32>, transpose_lhs_hint = false} : vector<128x2xf32>, vector<10000x128xf32>, vector<2x10000xf32> -> vector<2x10000xf32>
    %swap3A = arith.constant 0 : index
    %swap3A_6 = arith.constant 0 : index
    %swap3A_7 = vector.load %arg2[%swap3A, %swap3A_6] : memref<2x10000xf32, #tpu.memory_space<vmem>>, vector<2x10000xf32>
    tpu.vector_store %arg2[%swap3A, %swap3A_6], %dot_general3A_5 {strides = array<i32>} : memref<2x10000xf32, #tpu.memory_space<vmem>>, vector<2x10000xf32>,
    return
  }
}

module attributes {stable_mosaic.version = 14 : i64} {
  func.func @body(%arg0: memref<640000xf32, #tpu.memory_space<vmem>>, %arg1: memref<10000xf32, #tpu.memory_space<vmem>>, %arg2: memref<2xf32, #tpu.memory_space<vmem>>, %arg3: memref<2x10000xf32, #tpu.memory_space<vmem>>) attributes {dimension_semantics = [], scalar_prefetch = 0 : i64, scratch_operands = 0 : i64, tpu.core_type = #tpu.core_type<tc>} {
    %get3A = arith.constant 0 : index
    %get3A_0 = vector.load %arg0[%get3A] : memref<640000xf32, #tpu.memory_space<vmem>>, vector<10000xf32>
    %get3A_1 = arith.constant 320000 : index
    %get3A_2 = vector.load %arg0[%get3A_1] : memref<640000xf32, #tpu.memory_space<vmem>>, vector<10000xf32>
    %get3A_3 = arith.constant 10000 : index
    %get3A_4 = vector.load %arg0[%get3A_3] : memref<640000xf32, #tpu.memory_space<vmem>>, vector<10000xf32>
    %add3A = arith.addf %get3A_0, %get3A_4 : vector<10000xf32>
    %get3A_5 = arith.constant 330000 : index
    %get3A_6 = vector.load %arg0[%get3A_5] : memref<640000xf32, #tpu.memory_space<vmem>>, vector<10000xf32>
    %add3A_7 = arith.addf %get3A_2, %get3A_6 : vector<10000xf32>
    %get3A_8 = arith.constant 20000 : index
    %get3A_9 = vector.load %arg0[%get3A_8] : memref<640000xf32, #tpu.memory_space<vmem>>, vector<10000xf32>
    %add3A_10 = arith.addf %add3A, %get3A_9 : vector<10000xf32>
    %get3A_11 = arith.constant 340000 : index
    %get3A_12 = vector.load %arg0[%get3A_11] : memref<640000xf32, #tpu.memory_space<vmem>>, vector<10000xf32>
    %add3A_13 = arith.addf %add3A_7, %get3A_12 : vector<10000xf32>
    %get3A_14 = arith.constant 30000 : index
    %get3A_15 = vector.load %arg0[%get3A_14] : memref<640000xf32, #tpu.memory_space<vmem>>, vector<10000xf32>
    %add3A_16 = arith.addf %add3A_10, %get3A_15 : vector<10000xf32>
    %get3A_17 = arith.constant 350000 : index
    %get3A_18 = vector.load %arg0[%get3A_17] : memref<640000xf32, #tpu.memory_space<vmem>>, vector<10000xf32>
    %add3A_19 = arith.addf %add3A_13, %get3A_18 : vector<10000xf32>
    %get3A_20 = arith.constant 40000 : index
    %get3A_21 = vector.load %arg0[%get3A_20] : memref<640000xf32, #tpu.memory_space<vmem>>, vector<10000xf32>
    %add3A_22 = arith.addf %add3A_16, %get3A_21 : vector<10000xf32>
    %get3A_23 = arith.constant 360000 : index
    %get3A_24 = vector.load %arg0[%get3A_23] : memref<640000xf32, #tpu.memory_space<vmem>>, vector<10000xf32>
    %add3A_25 = arith.addf %add3A_19, %get3A_24 : vector<10000xf32>
    %get3A_26 = arith.constant 50000 : index
    %get3A_27 = vector.load %arg0[%get3A_26] : memref<640000xf32, #tpu.memory_space<vmem>>, vector<10000xf32>
    %add3A_28 = arith.addf %add3A_22, %get3A_27 : vector<10000xf32>
    %get3A_29 = arith.constant 370000 : index
    %get3A_30 = vector.load %arg0[%get3A_29] : memref<640000xf32, #tpu.memory_space<vmem>>, vector<10000xf32>
    %add3A_31 = arith.addf %add3A_25, %get3A_30 : vector<10000xf32>
    %get3A_32 = arith.constant 60000 : index
    %get3A_33 = vector.load %arg0[%get3A_32] : memref<640000xf32, #tpu.memory_space<vmem>>, vector<10000xf32>
    %add3A_34 = arith.addf %add3A_28, %get3A_33 : vector<10000xf32>
    %get3A_35 = arith.constant 380000 : index
    %get3A_36 = vector.load %arg0[%get3A_35] : memref<640000xf32, #tpu.memory_space<vmem>>, vector<10000xf32>
    %add3A_37 = arith.addf %add3A_31, %get3A_36 : vector<10000xf32>
    %get3A_38 = arith.constant 70000 : index
    %get3A_39 = vector.load %arg0[%get3A_38] : memref<640000xf32, #tpu.memory_space<vmem>>, vector<10000xf32>
    %add3A_40 = arith.addf %add3A_34, %get3A_39 : vector<10000xf32>
    %get3A_41 = arith.constant 390000 : index
    %get3A_42 = vector.load %arg0[%get3A_41] : memref<640000xf32, #tpu.memory_space<vmem>>, vector<10000xf32>
    %add3A_43 = arith.addf %add3A_37, %get3A_42 : vector<10000xf32>
    %get3A_44 = arith.constant 80000 : index
    %get3A_45 = vector.load %arg0[%get3A_44] : memref<640000xf32, #tpu.memory_space<vmem>>, vector<10000xf32>
    %add3A_46 = arith.addf %add3A_40, %get3A_45 : vector<10000xf32>
    %get3A_47 = arith.constant 400000 : index
    %get3A_48 = vector.load %arg0[%get3A_47] : memref<640000xf32, #tpu.memory_space<vmem>>, vector<10000xf32>
    %add3A_49 = arith.addf %add3A_43, %get3A_48 : vector<10000xf32>
    %get3A_50 = arith.constant 90000 : index
    %get3A_51 = vector.load %arg0[%get3A_50] : memref<640000xf32, #tpu.memory_space<vmem>>, vector<10000xf32>
    %add3A_52 = arith.addf %add3A_46, %get3A_51 : vector<10000xf32>
    %get3A_53 = arith.constant 410000 : index
    %get3A_54 = vector.load %arg0[%get3A_53] : memref<640000xf32, #tpu.memory_space<vmem>>, vector<10000xf32>
    %add3A_55 = arith.addf %add3A_49, %get3A_54 : vector<10000xf32>
    %get3A_56 = arith.constant 100000 : index
    %get3A_57 = vector.load %arg0[%get3A_56] : memref<640000xf32, #tpu.memory_space<vmem>>, vector<10000xf32>
    %add3A_58 = arith.addf %add3A_52, %get3A_57 : vector<10000xf32>
    %get3A_59 = arith.constant 420000 : index
    %get3A_60 = vector.load %arg0[%get3A_59] : memref<640000xf32, #tpu.memory_space<vmem>>, vector<10000xf32>
    %add3A_61 = arith.addf %add3A_55, %get3A_60 : vector<10000xf32>
    %get3A_62 = arith.constant 110000 : index
    %get3A_63 = vector.load %arg0[%get3A_62] : memref<640000xf32, #tpu.memory_space<vmem>>, vector<10000xf32>
    %add3A_64 = arith.addf %add3A_58, %get3A_63 : vector<10000xf32>
    %get3A_65 = arith.constant 430000 : index
    %get3A_66 = vector.load %arg0[%get3A_65] : memref<640000xf32, #tpu.memory_space<vmem>>, vector<10000xf32>
    %add3A_67 = arith.addf %add3A_61, %get3A_66 : vector<10000xf32>
    %get3A_68 = arith.constant 120000 : index
    %get3A_69 = vector.load %arg0[%get3A_68] : memref<640000xf32, #tpu.memory_space<vmem>>, vector<10000xf32>
    %add3A_70 = arith.addf %add3A_64, %get3A_69 : vector<10000xf32>
    %get3A_71 = arith.constant 440000 : index
    %get3A_72 = vector.load %arg0[%get3A_71] : memref<640000xf32, #tpu.memory_space<vmem>>, vector<10000xf32>
    %add3A_73 = arith.addf %add3A_67, %get3A_72 : vector<10000xf32>
    %get3A_74 = arith.constant 130000 : index
    %get3A_75 = vector.load %arg0[%get3A_74] : memref<640000xf32, #tpu.memory_space<vmem>>, vector<10000xf32>
    %add3A_76 = arith.addf %add3A_70, %get3A_75 : vector<10000xf32>
    %get3A_77 = arith.constant 450000 : index
    %get3A_78 = vector.load %arg0[%get3A_77] : memref<640000xf32, #tpu.memory_space<vmem>>, vector<10000xf32>
    %add3A_79 = arith.addf %add3A_73, %get3A_78 : vector<10000xf32>
    %get3A_80 = arith.constant 140000 : index
    %get3A_81 = vector.load %arg0[%get3A_80] : memref<640000xf32, #tpu.memory_space<vmem>>, vector<10000xf32>
    %add3A_82 = arith.addf %add3A_76, %get3A_81 : vector<10000xf32>
    %get3A_83 = arith.constant 460000 : index
    %get3A_84 = vector.load %arg0[%get3A_83] : memref<640000xf32, #tpu.memory_space<vmem>>, vector<10000xf32>
    %add3A_85 = arith.addf %add3A_79, %get3A_84 : vector<10000xf32>
    %get3A_86 = arith.constant 150000 : index
    %get3A_87 = vector.load %arg0[%get3A_86] : memref<640000xf32, #tpu.memory_space<vmem>>, vector<10000xf32>
    %add3A_88 = arith.addf %add3A_82, %get3A_87 : vector<10000xf32>
    %get3A_89 = arith.constant 470000 : index
    %get3A_90 = vector.load %arg0[%get3A_89] : memref<640000xf32, #tpu.memory_space<vmem>>, vector<10000xf32>
    %add3A_91 = arith.addf %add3A_85, %get3A_90 : vector<10000xf32>
    %get3A_92 = arith.constant 160000 : index
    %get3A_93 = vector.load %arg0[%get3A_92] : memref<640000xf32, #tpu.memory_space<vmem>>, vector<10000xf32>
    %add3A_94 = arith.addf %add3A_88, %get3A_93 : vector<10000xf32>
    %get3A_95 = arith.constant 480000 : index
    %get3A_96 = vector.load %arg0[%get3A_95] : memref<640000xf32, #tpu.memory_space<vmem>>, vector<10000xf32>
    %add3A_97 = arith.addf %add3A_91, %get3A_96 : vector<10000xf32>
    %get3A_98 = arith.constant 170000 : index
    %get3A_99 = vector.load %arg0[%get3A_98] : memref<640000xf32, #tpu.memory_space<vmem>>, vector<10000xf32>
    %add3A_100 = arith.addf %add3A_94, %get3A_99 : vector<10000xf32>
    %get3A_101 = arith.constant 490000 : index
    %get3A_102 = vector.load %arg0[%get3A_101] : memref<640000xf32, #tpu.memory_space<vmem>>, vector<10000xf32>
    %add3A_103 = arith.addf %add3A_97, %get3A_102 : vector<10000xf32>
    %get3A_104 = arith.constant 180000 : index
    %get3A_105 = vector.load %arg0[%get3A_104] : memref<640000xf32, #tpu.memory_space<vmem>>, vector<10000xf32>
    %add3A_106 = arith.addf %add3A_100, %get3A_105 : vector<10000xf32>
    %get3A_107 = arith.constant 500000 : index
    %get3A_108 = vector.load %arg0[%get3A_107] : memref<640000xf32, #tpu.memory_space<vmem>>, vector<10000xf32>
    %add3A_109 = arith.addf %add3A_103, %get3A_108 : vector<10000xf32>
    %get3A_110 = arith.constant 190000 : index
    %get3A_111 = vector.load %arg0[%get3A_110] : memref<640000xf32, #tpu.memory_space<vmem>>, vector<10000xf32>
    %add3A_112 = arith.addf %add3A_106, %get3A_111 : vector<10000xf32>
    %get3A_113 = arith.constant 510000 : index
    %get3A_114 = vector.load %arg0[%get3A_113] : memref<640000xf32, #tpu.memory_space<vmem>>, vector<10000xf32>
    %add3A_115 = arith.addf %add3A_109, %get3A_114 : vector<10000xf32>
    %get3A_116 = arith.constant 200000 : index
    %get3A_117 = vector.load %arg0[%get3A_116] : memref<640000xf32, #tpu.memory_space<vmem>>, vector<10000xf32>
    %add3A_118 = arith.addf %add3A_112, %get3A_117 : vector<10000xf32>
    %get3A_119 = arith.constant 520000 : index
    %get3A_120 = vector.load %arg0[%get3A_119] : memref<640000xf32, #tpu.memory_space<vmem>>, vector<10000xf32>
    %add3A_121 = arith.addf %add3A_115, %get3A_120 : vector<10000xf32>
    %get3A_122 = arith.constant 210000 : index
    %get3A_123 = vector.load %arg0[%get3A_122] : memref<640000xf32, #tpu.memory_space<vmem>>, vector<10000xf32>
    %add3A_124 = arith.addf %add3A_118, %get3A_123 : vector<10000xf32>
    %get3A_125 = arith.constant 530000 : index
    %get3A_126 = vector.load %arg0[%get3A_125] : memref<640000xf32, #tpu.memory_space<vmem>>, vector<10000xf32>
    %add3A_127 = arith.addf %add3A_121, %get3A_126 : vector<10000xf32>
    %get3A_128 = arith.constant 220000 : index
    %get3A_129 = vector.load %arg0[%get3A_128] : memref<640000xf32, #tpu.memory_space<vmem>>, vector<10000xf32>
    %add3A_130 = arith.addf %add3A_124, %get3A_129 : vector<10000xf32>
    %get3A_131 = arith.constant 540000 : index
    %get3A_132 = vector.load %arg0[%get3A_131] : memref<640000xf32, #tpu.memory_space<vmem>>, vector<10000xf32>
    %add3A_133 = arith.addf %add3A_127, %get3A_132 : vector<10000xf32>
    %get3A_134 = arith.constant 230000 : index
    %get3A_135 = vector.load %arg0[%get3A_134] : memref<640000xf32, #tpu.memory_space<vmem>>, vector<10000xf32>
    %add3A_136 = arith.addf %add3A_130, %get3A_135 : vector<10000xf32>
    %get3A_137 = arith.constant 550000 : index
    %get3A_138 = vector.load %arg0[%get3A_137] : memref<640000xf32, #tpu.memory_space<vmem>>, vector<10000xf32>
    %add3A_139 = arith.addf %add3A_133, %get3A_138 : vector<10000xf32>
    %get3A_140 = arith.constant 240000 : index
    %get3A_141 = vector.load %arg0[%get3A_140] : memref<640000xf32, #tpu.memory_space<vmem>>, vector<10000xf32>
    %add3A_142 = arith.addf %add3A_136, %get3A_141 : vector<10000xf32>
    %get3A_143 = arith.constant 560000 : index
    %get3A_144 = vector.load %arg0[%get3A_143] : memref<640000xf32, #tpu.memory_space<vmem>>, vector<10000xf32>
    %add3A_145 = arith.addf %add3A_139, %get3A_144 : vector<10000xf32>
    %get3A_146 = arith.constant 250000 : index
    %get3A_147 = vector.load %arg0[%get3A_146] : memref<640000xf32, #tpu.memory_space<vmem>>, vector<10000xf32>
    %add3A_148 = arith.addf %add3A_142, %get3A_147 : vector<10000xf32>
    %get3A_149 = arith.constant 570000 : index
    %get3A_150 = vector.load %arg0[%get3A_149] : memref<640000xf32, #tpu.memory_space<vmem>>, vector<10000xf32>
    %add3A_151 = arith.addf %add3A_145, %get3A_150 : vector<10000xf32>
    %get3A_152 = arith.constant 260000 : index
    %get3A_153 = vector.load %arg0[%get3A_152] : memref<640000xf32, #tpu.memory_space<vmem>>, vector<10000xf32>
    %add3A_154 = arith.addf %add3A_148, %get3A_153 : vector<10000xf32>
    %get3A_155 = arith.constant 580000 : index
    %get3A_156 = vector.load %arg0[%get3A_155] : memref<640000xf32, #tpu.memory_space<vmem>>, vector<10000xf32>
    %add3A_157 = arith.addf %add3A_151, %get3A_156 : vector<10000xf32>
    %get3A_158 = arith.constant 270000 : index
    %get3A_159 = vector.load %arg0[%get3A_158] : memref<640000xf32, #tpu.memory_space<vmem>>, vector<10000xf32>
    %add3A_160 = arith.addf %add3A_154, %get3A_159 : vector<10000xf32>
    %get3A_161 = arith.constant 590000 : index
    %get3A_162 = vector.load %arg0[%get3A_161] : memref<640000xf32, #tpu.memory_space<vmem>>, vector<10000xf32>
    %add3A_163 = arith.addf %add3A_157, %get3A_162 : vector<10000xf32>
    %get3A_164 = arith.constant 280000 : index
    %get3A_165 = vector.load %arg0[%get3A_164] : memref<640000xf32, #tpu.memory_space<vmem>>, vector<10000xf32>
    %add3A_166 = arith.addf %add3A_160, %get3A_165 : vector<10000xf32>
    %get3A_167 = arith.constant 600000 : index
    %get3A_168 = vector.load %arg0[%get3A_167] : memref<640000xf32, #tpu.memory_space<vmem>>, vector<10000xf32>
    %add3A_169 = arith.addf %add3A_163, %get3A_168 : vector<10000xf32>
    %get3A_170 = arith.constant 290000 : index
    %get3A_171 = vector.load %arg0[%get3A_170] : memref<640000xf32, #tpu.memory_space<vmem>>, vector<10000xf32>
    %add3A_172 = arith.addf %add3A_166, %get3A_171 : vector<10000xf32>
    %get3A_173 = arith.constant 610000 : index
    %get3A_174 = vector.load %arg0[%get3A_173] : memref<640000xf32, #tpu.memory_space<vmem>>, vector<10000xf32>
    %add3A_175 = arith.addf %add3A_169, %get3A_174 : vector<10000xf32>
    %get3A_176 = arith.constant 300000 : index
    %get3A_177 = vector.load %arg0[%get3A_176] : memref<640000xf32, #tpu.memory_space<vmem>>, vector<10000xf32>
    %add3A_178 = arith.addf %add3A_172, %get3A_177 : vector<10000xf32>
    %get3A_179 = arith.constant 620000 : index
    %get3A_180 = vector.load %arg0[%get3A_179] : memref<640000xf32, #tpu.memory_space<vmem>>, vector<10000xf32>
    %add3A_181 = arith.addf %add3A_175, %get3A_180 : vector<10000xf32>
    %get3A_182 = arith.constant 310000 : index
    %get3A_183 = vector.load %arg0[%get3A_182] : memref<640000xf32, #tpu.memory_space<vmem>>, vector<10000xf32>
    %add3A_184 = arith.addf %add3A_178, %get3A_183 : vector<10000xf32>
    %get3A_185 = arith.constant 630000 : index
    %get3A_186 = vector.load %arg0[%get3A_185] : memref<640000xf32, #tpu.memory_space<vmem>>, vector<10000xf32>
    %add3A_187 = arith.addf %add3A_181, %get3A_186 : vector<10000xf32>
    %get3A_188 = arith.constant 0 : index
    %get3A_189 = vector.load %arg1[%get3A_188] : memref<10000xf32, #tpu.memory_space<vmem>>, vector<10000xf32>
    %mul3A = arith.mulf %add3A_184, %get3A_189 : vector<10000xf32>
    %get3A_190 = arith.constant 0 : index
    %get3A_191 = vector.load %arg2[%get3A_190] : memref<2xf32, #tpu.memory_space<vmem>>, vector<1xf32>
    %get3A_192 = vector.extract %get3A_191[0] : f32 from vector<1xf32>
    %add3A_193 = vector.broadcast %get3A_192 : f32 to vector<10000xf32>
    %add3A_194 = arith.addf %mul3A, %add3A_193 : vector<10000xf32>
    %swap3A = arith.constant 0 : index
    %swap3A_195 = arith.constant 0 : index
    %swap3A_196 = vector.load %arg3[%swap3A, %swap3A_195] : memref<2x10000xf32, #tpu.memory_space<vmem>>, vector<1x10000xf32>
    %swap3A_197 = vector.shape_cast %swap3A_196 : vector<1x10000xf32> to vector<10000xf32>
    %swap3A_198 = vector.shape_cast %add3A_194 : vector<10000xf32> to vector<1x10000xf32>
    tpu.vector_store %arg3[%swap3A, %swap3A_195], %swap3A_198 {strides = array<i32>} : memref<2x10000xf32, #tpu.memory_space<vmem>>, vector<1x10000xf32>,
    %mul3A_199 = arith.mulf %add3A_187, %get3A_189 : vector<10000xf32>
    %get3A_200 = arith.constant 1 : index
    %get3A_201 = vector.load %arg2[%get3A_200] : memref<2xf32, #tpu.memory_space<vmem>>, vector<1xf32>
    %get3A_202 = vector.extract %get3A_201[0] : f32 from vector<1xf32>
    %add3A_203 = vector.broadcast %get3A_202 : f32 to vector<10000xf32>
    %add3A_204 = arith.addf %mul3A_199, %add3A_203 : vector<10000xf32>
    %swap3A_205 = arith.constant 1 : index
    %swap3A_206 = arith.constant 0 : index
    %swap3A_207 = vector.load %arg3[%swap3A_205, %swap3A_206] : memref<2x10000xf32, #tpu.memory_space<vmem>>, vector<1x10000xf32>
    %swap3A_208 = vector.shape_cast %swap3A_207 : vector<1x10000xf32> to vector<10000xf32>
    %swap3A_209 = vector.shape_cast %add3A_204 : vector<10000xf32> to vector<1x10000xf32>
    tpu.vector_store %arg3[%swap3A_205, %swap3A_206], %swap3A_209 {strides = array<i32>} : memref<2x10000xf32, #tpu.memory_space<vmem>>, vector<1x10000xf32>,
    return
  }
}

</mosaic_0001>

<sc_bundles>
// kernel: kernel.10.cloned.1.call-start
scs
__scs_entry_jumppad:
0x0: {  	(pc) =	sbr.rel $0x88, $3  }
0x1: {  	(tag) =	ssettag $0x0;
	lr =	simm.s32 $0x1  }
0x2: {  	[smem:$0x3F9D] =	sst lr;
	_ =	strace $0xD0000000  }
0x3: {  	_ = 	snop  }
0x4: {  	_ = 	snop  }
0x5: {  	_ = 	snop  }
0x6: {  	_ = 	snop  }
0x7: {  	_ = 	snop  }
__scs_overlays_trampoline_lowered:
0x8: {  	[smem:$0x3FAC] =	sst s0  }
0x9: {  	[smem:$0x3FAD] =	sst s1  }
0xa: {  	[smem:$0x3FAE] =	sst s2  }
0xb: {  	[smem:$0x3FAF] =	sst s3  }
0xc: {  	[smem:$0x3FB0] =	sst s4  }
0xd: {  	[smem:$0x3FB1] =	sst s5  }
0xe: {  	[smem:$0x3FB2] =	sst s6  }
0xf: {  	[smem:$0x3FB3] =	sst s7  }
0x10: {  	[smem:$0x3FB4] =	sst s8  }
0x11: {  	[smem:$0x3FB5] =	sst s9;
	s0 =	simm.s32 @!p0 $0x0  }
0x12: {  	s1 =	sld [smem:$0x3F9B];
	s0 =	simm.s32 @p0 $0x1  }
0x13: {  	[smem:$0x3FB6] =	sst s0;
	s0 =	simm.s32 @!p1 $0x0  }
0x14: {  	s2 =	sld [smem:$0x3F9A];
	s0 =	simm.s32 @p1 $0x1  }
0x15: {  	[smem:$0x3FB7] =	sst s0;
	s0 =	simm.s32 @!p2 $0x0  }
0x16: {  	s3 =	sld [smem:$0x3FDB];
	s0 =	simm.s32 @p2 $0x1  }
0x17: {  	s4 =	simm.s32 $0x1BF5;
	[smem:$0x3FB9] =	sst s0  }
0x18: {  	s0 =	sld [smem:$0x3F9C];
	_ =	swait.ge [sflag:s4], $0x0  }
0x19: {  	s7 =	sld [smem:$0x3F9D]  }
0x1a: {  	s8 =	sadd.s32 $0xFFFFE003, lr  }
0x1b: {  	s9 =	sadd.s32 $0xFFFFFEF7, lr;
	s5 =	simm.s32 $0xFFFFFFFF;
	p2 =	slt.u32 s8, $0xFFFFF086  }
0x1c: {  	p1 =	slt.u32 s9, $0xF7A;
	s5 =	simm.s32 @!p2 $0x0  }
0x1d: {  	s5 =	simm.s32 @p1 $0x1;
	p0 =	seq.s32 s7, s2  }
0x1e: {  	s7 =	smul.u32 @!p0 $0xF7A, s2;
	p2 =	seq.s32 @!p0 s5, $0x0  }
0x1f: {  	s9 =	smul.u32 $0xF7A, s1;
	s8 =	simm.s32 @!p0 $0x1BF5;
	p2 =	por !p2, p0  }
0x20: {  	[sflag:s8] =	ssyncset.s32 @!p0 $0xFFFFF086;
	s6 =	sadd.s32 @!p0 s3, s7;
	s7 =	simm.s32 @!p0 $0x108  }
0x21: {  	s3 =	sadd.s32 s3, s9;
	s6 =	sadd.s32 @!p0 $0x88, s6;
	s7 =	simm.s32 @p2 $0x1082  }
0x22: {  	[simem:s7], [sflag:s8] =	dma.local @!p0 [hbm:s6], $0xF7A  }
0x23: {  	s9 =	sor.u32 $0xD0000000, s2;
	s6 =	simm.s32 $0x108;
	_ =	swait.ge @!p0 [sflag:s8], $0x0  }
0x24: {  	s3 =	sadd.s32 $0x88, s3;
	s6 =	simm.s32 @!p1 $0x1082;
	[sflag:s4] =	ssyncset.s32 $0xFFFFF086  }
0x25: {  	[simem:s6], [sflag:s4] =	dma.local [hbm:s3], $0xF7A  }
0x26: {  	[smem:$0x3F9D] =	sst s1;
	(tag) =	ssettag s2;
	_ =	strace s9  }
0x27: {  	s1 =	sld [smem:$0x3FAD]  }
0x28: {  	s2 =	sld [smem:$0x3FAE]  }
0x29: {  	s4 =	sld [smem:$0x3FB0]  }
0x2a: {  	p0 =	seq.s32 s5, $0x0;
	s5 =	sld [smem:$0x3FB1]  }
0x2b: {  	s6 =	sld [smem:$0x3FB2]  }
0x2c: {  	s7 =	sld [smem:$0x3FB3]  }
0x2d: {  	s3 =	simm.s32 $0x108;
	s8 =	sld [smem:$0x3FB4]  }
0x2e: {  	s3 =	simm.s32 @!p0 $0x1082;
	s9 =	sld [smem:$0x3FB5]  }
0x2f: {  	lr =	sadd.s32 s0, s3;
	s0 =	sld [smem:$0x3FAC]  }
0x30: {  	s3 =	sld [smem:$0x3FAF]  }
0x31: {  	[smem:$0x3FB8] =	sst s10  }
0x32: {  	s10 =	sld [smem:$0x3FB6];
	_ =	sdelay $0x3  }
0x33: {  	p0 =	seq.s32 s10, $0x1;
	s10 =	sld [smem:$0x3FB8];
	_ =	sdelay $0x3  }
0x34: {  	[smem:$0x3FB8] =	sst s10  }
0x35: {  	s10 =	sld [smem:$0x3FB7];
	_ =	sdelay $0x3  }
0x36: {  	p1 =	seq.s32 s10, $0x1;
	s10 =	sld [smem:$0x3FB8];
	_ =	sdelay $0x3  }
0x37: {  	[smem:$0x3FB8] =	sst s10  }
0x38: {  	s10 =	sld [smem:$0x3FB9]  }
0x39: {  	_ = 	snop;
	(pc) =	sbr.ind lr, $3  }
0x3a: {  	_ = 	snop  }
0x3b: {  	_ = 	snop  }
0x3c: {  	p2 =	seq.s32 s10, $0x1;
	s10 =	sld [smem:$0x3FB8]  }
0x3d: {  	_ =	shalt  }
0x3e: {  	_ =	shalt  }
0x3f: {  	_ =	shalt  }
0x40: {  	_ =	shalt  }
0x41: {  	_ =	shalt  }
0x42: {  	_ =	shalt  }
0x43: {  	_ =	shalt  }
0x44: {  	_ =	shalt  }
0x45: {  	_ =	shalt  }
0x46: {  	_ =	shalt  }
0x47: {  	_ =	shalt  }
0x48: {  	_ =	shalt  }
0x49: {  	_ =	shalt  }
0x4a: {  	_ =	shalt  }
0x4b: {  	_ =	shalt  }
0x4c: {  	_ =	shalt  }
0x4d: {  	_ =	shalt  }
0x4e: {  	_ =	shalt  }
0x4f: {  	_ =	shalt  }
0x50: {  	_ =	shalt  }
0x51: {  	_ =	shalt  }
0x52: {  	_ =	shalt  }
0x53: {  	_ =	shalt  }
0x54: {  	_ =	shalt  }
0x55: {  	_ =	shalt  }
0x56: {  	_ =	shalt  }
0x57: {  	_ =	shalt  }
0x58: {  	_ =	shalt  }
0x59: {  	_ =	shalt  }
0x5a: {  	_ =	shalt  }
0x5b: {  	_ =	shalt  }
0x5c: {  	_ =	shalt  }
0x5d: {  	_ =	shalt  }
0x5e: {  	_ =	shalt  }
0x5f: {  	_ =	shalt  }
0x60: {  	_ =	shalt  }
0x61: {  	_ =	shalt  }
0x62: {  	_ =	shalt  }
0x63: {  	_ =	shalt  }
0x64: {  	_ =	shalt  }
0x65: {  	_ =	shalt  }
0x66: {  	_ =	shalt  }
0x67: {  	_ =	shalt  }
0x68: {  	_ =	shalt  }
0x69: {  	_ =	shalt  }
0x6a: {  	_ =	shalt  }
0x6b: {  	_ =	shalt  }
0x6c: {  	_ =	shalt  }
0x6d: {  	_ =	shalt  }
0x6e: {  	_ =	shalt  }
0x6f: {  	_ =	shalt  }
0x70: {  	_ =	shalt  }
0x71: {  	_ =	shalt  }
0x72: {  	_ =	shalt  }
0x73: {  	_ =	shalt  }
0x74: {  	_ =	shalt  }
0x75: {  	_ =	shalt  }
0x76: {  	_ =	shalt  }
0x77: {  	_ =	shalt  }
0x78: {  	_ =	shalt  }
0x79: {  	_ =	shalt  }
0x7a: {  	_ =	shalt  }
0x7b: {  	_ =	shalt  }
0x7c: {  	_ =	shalt  }
0x7d: {  	_ =	shalt  }
0x7e: {  	_ =	shalt  }
0x7f: {  	_ =	shalt  }
0x80: {  	_ =	shalt  }
0x81: {  	_ =	shalt  }
0x82: {  	_ =	shalt  }
0x83: {  	_ =	shalt  }
0x84: {  	_ =	shalt  }
0x85: {  	_ =	shalt  }
0x86: {  	_ =	shalt  }
0x87: {  	_ =	shalt  }
.Lfunc_end0:
.L_simem_size_0:
called_computation.1_lowered:
.L_overlay_start_0:
0x88: {  	s2 =	sld [smem:$0x3FD9]  }
0x89: {  	s3 =	sld [smem:$0x3FFE];
	_ =	sdelay $0x1  }
0x8a: {  	s1 =	srdreg.scid  }
0x8b: {  	s0 =	sand.u32 $0x1, s1  }
0x8c: {  	s17 =	sshll.u32 s0, $0xA;
	s2 =	sadd.s32 s3, s2  }
0x8d: {  	s2 =	sadd.s32 s2, s17  }
0x8e: {  	[smem:$0x3FC4] =	sst s2  }
0x8f: {  	_ = 	snop  }
0x90: {  	s2 =	sld [smem:$0x3FC8];
	(tm) =	ssettm $0x1  }
0x91: {  	s18 =	sld [smem:$0x3FFB];
	_ =	sdelay $0x3  }
0x92: {  	_ =	strace s18  }
0x93: {  	s3 =	sld [smem:$0x3FFC];
	_ =	sdelay $0x3  }
0x94: {  	_ =	strace s3  }
0x95: {  	s3 =	sld [smem:$0x3FFD];
	_ =	sdelay $0x3  }
0x96: {  	_ =	strace s3  }
0x97: {  	_ =	strace $0x8FFFFFFF  }
0x98: {  	s19 =	sld [smem:$0x3FDB];
	_ =	sdelay $0x1  }
0x99: {  	s4 =	simm.s32 $_scs_section_size  }
0x9a: {  	s5 =	simm.s32 $_size__tile_overlayer_lowered;
	s6 =	simm.s32 $_tile_overlayer_lowered  }
0x9b: {  	s22 =	simm.s32 $0x1BFF;
	s21 =	sshll.u32 s6, $0x1;
	s3 =	sadd.s32 s4, s19  }
0x9c: {  	s7 =	simm.s32 $0x0;
	s20 =	sshll.u32 s5, $0x1;
	s5 =	sadd.s32 s21, s3  }
0x9d: {  	[timem:s7], [sflag:s22] =	dma.local [hbm:s5], s20  }
0x9e: {  	_ =	swait.ge [sflag:s22], s20  }
0x9f: {  	s4 =	ssub.s32 $0x0, s20;
	[sflag:s22] =	ssyncset.done $0x0  }
0xa0: {  	[sflag:s22] =	ssyncadd.s32 s4;
	_ =	sdelay $0x1  }
0xa1: {  	s23 =	simm.s32 $0x1B8B  }
0xa2: {  	_ =	swait.ge [sflag:s23], $0x1  }
0xa3: {  	[sflag:s23] =	ssyncset.done $0x0  }
0xa4: {  	s25 =	simm.s32 $0x1B8E;
	s24 =	sld [smem:$0x3FFE];
	[sflag:s23] =	ssyncadd.s32 $0xFFFFFFFF  }
0xa5: {  	s26 =	simm.s32 $execute0_lowered;
	[smem:$0x3FD2] =	sst s25  }
0xa6: {  	s5 =	sshll.u32 s26, $0x1;
	_ =	strace $0x80000049;
	[dreg:$0x1] =	wrdreg $0xFFFFFFFF  }
0xa7: {  	s28 =	simm.s32 $_size_execute0_lowered;
	s3 =	sadd.s32 s3, s5;
	[dreg:$0x0] =	wrdreg $0x0  }
0xa8: {  	s5 =	sshll.u32 s28, $0x1;
	[dreg:$0x2] =	wrdreg s3  }
0xa9: {  	[dreg:$0x3] =	wrdreg s5  }
0xaa: {  	[dreg:$0x4] =	wrdreg $0xC0  }
0xab: {  	_ =	task [dreg:s7], $0x5FFFF  }
0xac: {  	[dreg:$0x1] =	wrdreg $0xFFFFFFFF  }
0xad: {  	[dreg:$0x0] =	wrdreg $0x60  }
0xae: {  	[dreg:$0x2] =	wrdreg s24  }
0xaf: {  	[dreg:$0x3] =	wrdreg s2  }
0xb0: {  	[dreg:$0x4] =	wrdreg $0x9  }
0xb1: {  	_ =	task.clear_ibuf [dreg:s7], $0x5FFFF;
	_ =	strace $0x90000049  }
0xb2: {  	s29 =	simm.s32 $0x9;
	_ =	strace $0x8000004B  }
0xb3: {  	_ =	swait.ge [sflag:s29], $0x1  }
0xb4: {  	[sflag:s29] =	ssyncadd.s32 $0xFFFFFFFF  }
0xb5: {  	_ =	strace $0x9000004B  }
0xb6: {  	_ =	sfence  }
0xb7: {  	s30 =	sld [smem:$0x0];
	_ =	sdelay $0x2  }
0xb8: {  	s31 =	sshll.u32 s1, $0xD;
	s1 =	sshrl.u32 s1, $0x2  }
0xb9: {  	s3 =	sand.u32 $0x4000, s31;
	s1 =	sadd.s32 s1, s30  }
0xba: {  	s0 =	sor.u32 s3, s0;
	s1 =	sshll.u32 s1, $0x11  }
0xbb: {  	s0 =	sor.u32 s1, s0  }
0xbc: {  	s0 =	sadd.s32 $0x8F2B, s0  }
0xbd: {  	[sflag:s0] =	ssyncadd.remote.s32 $0x1  }
0xbe: {  	_ =	sfence.sel $0xFFFF  }
0xbf: {  	[dreg:$0x0] =	wrdreg $0xFFFFFFFF;
	(pc) =	sbr.abs _section_cstart, $3  }
0xc0: {  	[dreg:$0x1] =	wrdreg $0xFFFFFFFF  }
0xc1: {  	_ =	task.clear_ibuf [dreg:s7], $0x2FFFF;
	_ =	strace $0x9FFFFFFF  }
0xc2: {  	(tm) =	ssettm $0x7FFFFFFF  }
0xc3: {  	_ =	shalt  }
tec
execute0_lowered:
.L_overlay_start_1:
0x0: {  	(tag) =	ssettag $0x1  }
0x1: {  	s4 =	rddreg [dreg:$0x0]  }
0x2: {  	s5 =	rddreg [dreg:$0x1];
	s1 =	srdreg.scid  }
0x3: {  	s0 =	rddreg [dreg:$0x2];
	s2 =	simm.s32 $0x0;
	s6 =	sand.u32 $0x1, s1  }
0x4: {  	s12 =	simm.s32 $0xC790;
	s1 =	stileid.u32;
	s3 =	sshll.u32 s6, $0x4  }
0x5: {  	s13 =	simm.s32 $0x0;
	[smem:$0x7FF] =	sst s2;
	s9 =	sor.u32 s1, s3  }
0x6: {  	s8 =	sadd.s32 $0x2600, s4;
	s6 =	ssub.s32 $0x2, s6;
	s7 =	smul.u32 $0x2710, s9  }
0x7: {  	_ =	strace $0x8000004A;
	s30 =	sshrl.u32 s6, $0x1;
	s10 =	smul.u32 $0x9C0, s9  }
.Ltmp0:
0x8: {  	s3 =	sadd.s32 $0x1C00, s4;
	s11 =	ssub.s32 s6, s30;
	(pc) =	sbr.rel .LBB2_1-.Ltmp0, $4  }
0x9: {  	s31 =	smul.u32 $0x4E2, s9;
	p0 =	sne.s32 s9, $0x1F;
	s9 =	simm.s32 $0x5200  }
0xa: {  	s7 =	sshrl.u32 s7, $0x3;
	s4 =	sadd.s32 s5, s10;
	s5 =	sadd.s32 $0x13800, s5  }
0xb: {  	s6 =	sadd.s32 s8, s31;
	s10 =	simm.s32 $0x1;
	s7 =	sadd.s32 s8, s7  }
0xc: {  	v0 =	vimm.f32 $0.0e+00;
	s8 =	smax.u32 s11, $0x1;
	s11 =	simm.s32 $0xA080;
	s7 =	sadd.s32 $0x9C40, s7  }
.LBB2_8:
0xd: {  	[hbm4b:s6+s2] =	stream.linear.scatter [tilespmem:s11], [sflag:$0x1], $0x2710, $0x38;
	[tilespmem:$0xEF00] =	vst v63  }
0xe: {  	s13 =	sadd.s32 $0x1, s13;
	_ =	swait.ge [sflag:s10], $0x2710  }
0xf: {  	p1 =	sne.s32 s13, s8;
	[sflag:s10] =	ssyncset.done $0x0  }
.Ltmp1:
0x10: {  	[sflag:s10] =	ssyncadd.s32 $0xFFFFD8F0;
	(pc) =	sbr.rel @!p1 .LBB2_9-.Ltmp1, $4  }
0x11: {  	[hbm4b:s7+s2] =	stream.linear.scatter [tilespmem:s12], [sflag:$0x1], $0x2710, $0x38;
	[tilespmem:$0xEF00] =	vst v63  }
0x12: {  	_ =	swait.ge [sflag:s10], $0x2710  }
0x13: {  	[sflag:s10] =	ssyncset.done $0x0  }
0x14: {  	[sflag:s10] =	ssyncadd.s32 $0xFFFFD8F0  }
.LBB2_1:
0x15: {  	[tilespmem:s9], [sflag:$0x1] =	stream.linear.gather [hbm4b:s3+s2], $0x4E80, $0x38;
	[tilespmem:$0xEF00] =	vst v63  }
0x16: {  	_ =	swait.ge [sflag:s10], $0x4E80  }
0x17: {  	[sflag:s10] =	ssyncset.done $0x0  }
0x18: {  	[sflag:s10] =	ssyncadd.s32 $0xFFFFB180  }
0x19: {  	[tilespmem:s2], [sflag:$0x1] =	stream.linear.gather [hbm4b:s4+s2], $0x4E00, $0x38;
	[tilespmem:$0xEF00] =	vst v63  }
0x1a: {  	_ =	swait.ge [sflag:s10], $0x4E00  }
0x1b: {  	[sflag:s10] =	ssyncset.done $0x0  }
0x1c: {  	s14 =	simm.s32 @!p0 $0x0;
	s15 =	simm.s32 @!p0 $0x4E00;
	[sflag:s10] =	ssyncadd.s32 $0xFFFFB200  }
0x1d: {  	[tilespmem:s15], [sflag:$0x1] =	stream.linear.gather @!p0 [hbm4b:s5+s14], $0x400, $0x38;
	[tilespmem:$0xEF00] =	vst v63  }
0x1e: {  	s14 =	simm.s32 @!p0 $0x1  }
0x1f: {  	_ =	swait.ge @!p0 [sflag:s14], $0x400  }
0x20: {  	[sflag:s14] =	ssyncset.done @!p0 $0x0  }
0x21: {  	[sflag:s14] =	ssyncadd.s32 @!p0 $0xFFFFFC00;
	s14 =	simm.s32 $0xA0C0  }
0x22: {  	[tilespmem:s14+$0xFFFFFFC0] =	vst v0  }
0x23: {  	[tilespmem:s14+$0x30] =	vst v0  }
0x24: {  	[tilespmem:s14+$0x20] =	vst v0  }
0x25: {  	[tilespmem:s14+$0x10] =	vst v0  }
0x26: {  	[tilespmem:s14+$0x0] =	vst v0  }
0x27: {  	[tilespmem:s14+$0xFFFFFFF0] =	vst v0  }
0x28: {  	s15 =	simm.s32 $0x0;
	[tilespmem:s14+$0xFFFFFFE0] =	vst v0  }
.LBB2_2:
0x29: {  	s15 =	sadd.s32 $0x8, s15;
	[tilespmem:s14+$0xFFFFFFD0] =	vst v0;
	s14 =	sadd.s32 $0x80, s14  }
0x2a: {  	[tilespmem:s14+$0xFFFFFFC0] =	vst v0;
	p1 =	slt.u32 s15, $0x4D8  }
0x2b: {  	[tilespmem:s14+$0x30] =	vst v0  }
.Ltmp2:
0x2c: {  	[tilespmem:s14+$0x20] =	vst v0;
	(pc) =	sbr.rel @p1 .LBB2_2-.Ltmp2, $4  }
0x2d: {  	[tilespmem:s14+$0x10] =	vst v0  }
0x2e: {  	[tilespmem:s14+$0x0] =	vst v0  }
0x2f: {  	[tilespmem:s14+$0xFFFFFFF0] =	vst v0  }
0x30: {  	[tilespmem:s14+$0xFFFFFFE0] =	vst v0  }
0x31: {  	[tilespmem:s14+$0xFFFFFFD0] =	vst v0  }
0x32: {  	[tilespmem:$0xEE80] =	vst v0  }
0x33: {  	s14 =	simm.s32 $0x80;
	[tilespmem:$0xEE90] =	vst v0  }
0x34: {  	v1 =	vld [tilespmem:s14+$0x10]  }
0x35: {  	v3 =	vld [tilespmem:s14+$0x30]  }
0x36: {  	v2 =	vld [tilespmem:s14+$0x20]  }
0x37: {  	v4 =	vld [tilespmem:s14+$0x40]  }
0x38: {  	v5 =	vld [tilespmem:s14+$0x50]  }
0x39: {  	v16 =	vld [tilespmem:s14+$0x60]  }
0x3a: {  	v9 =	vld [tilespmem:s14+$0x70]  }
0x3b: {  	v8 =	vld [tilespmem:s14+$0x0]  }
0x3c: {  	v10 =	vld [tilespmem:s14+$0xFFFFFF80]  }
0x3d: {  	v11 =	vld [tilespmem:s14+$0xFFFFFFF0]  }
0x3e: {  	v12 =	vld [tilespmem:s14+$0xFFFFFFE0]  }
0x3f: {  	v13 =	vld [tilespmem:s14+$0xFFFFFFD0]  }
0x40: {  	v14 =	vld [tilespmem:s14+$0xFFFFFFC0]  }
0x41: {  	v17 =	vld [tilespmem:s14+$0xFFFFFFB0]  }
0x42: {  	v7 =	vld [tilespmem:s14+$0xFFFFFFA0]  }
0x43: {  	v6 =	vld [tilespmem:s14+$0xFFFFFF90]  }
0x44: {  	v15 =	vadd.s32 $0x2710, v10;
	v10 =	vld.idx.msk [tilespmem:v10+s9+$0x0], $0xffff  }
0x45: {  	v18 =	vadd.s32 $0x2710, v11;
	v19 =	vld.idx.msk [tilespmem:v11+s9+$0x0], $0xffff  }
0x46: {  	v20 =	vadd.s32 $0x2710, v12;
	v21 =	vld.idx.msk [tilespmem:v12+s9+$0x0], $0xffff  }
0x47: {  	v11 =	vld.idx.msk [tilespmem:v13+s9+$0x0], $0xffff  }
0x48: {  	v12 =	vld.idx.msk [tilespmem:v14+s9+$0x0], $0xffff  }
0x49: {  	v22 =	vld.idx.msk [tilespmem:v15+s9+$0x0], $0xffff  }
0x4a: {  	v18 =	vld.idx.msk [tilespmem:v18+s9+$0x0], $0xffff  }
0x4b: {  	v63 =	vadd.s32 $0x2710, v13;
	v15 =	vld.idx.msk [tilespmem:v20+s9+$0x0], $0xffff  }
0x4c: {  	v23 =	vadd.s32 $0x2710, v8;
	[tilespmem:v8+s11+$0x0] =	vst.idx.add.f32.msk $0xffff, v10  }
0x4d: {  	v10 =	vadd.s32 $0x2710, v9;
	v8 =	vld.idx.msk [tilespmem:v17+s9+$0x0], $0xffff  }
0x4e: {  	[tilespmem:v9+s11+$0x0] =	vst.idx.add.f32.msk $0xffff, v19  }
0x4f: {  	[tilespmem:v16+s11+$0x0] =	vst.idx.add.f32.msk $0xffff, v21;
	v9 =	vadd.s32 $0x2710, v14;
	v14 =	vadd.s32 $0x2710, v17;
	v17 =	vadd.s32 $0x2710, v16  }
0x50: {  	v16 =	vld.idx.msk [tilespmem:v63+s9+$0x0], $0xffff  }
0x51: {  	[tilespmem:v23+s11+$0x0] =	vst.idx.add.f32.msk $0xffff, v22  }
0x52: {  	s15 =	simm.s32 $0x0;
	v13 =	vadd.s32 $0x2710, v7;
	[tilespmem:v10+s11+$0x0] =	vst.idx.add.f32.msk $0xffff, v18;
	v10 =	vadd.s32 $0x2710, v6  }
.LBB2_4:
0x53: {  	s15 =	sadd.s32 $0x80, s15;
	v7 =	vld.idx.msk [tilespmem:v7+s9+$0x0], $0xffff;
	s14 =	sadd.s32 $0x100, s14  }
0x54: {  	p1 =	slt.u32 s15, $0x2680;
	[tilespmem:v17+s11+$0x0] =	vst.idx.add.f32.msk $0xffff, v15  }
0x55: {  	v15 =	vadd.s32 $0x2710, v5;
	v14 =	vld.idx.msk [tilespmem:v14+s9+$0x0], $0xffff  }
0x56: {  	[tilespmem:v5+s11+$0x0] =	vst.idx.add.f32.msk $0xffff, v11  }
0x57: {  	v5 =	vld.idx.msk [tilespmem:v9+s9+$0x0], $0xffff  }
0x58: {  	[tilespmem:v4+s11+$0x0] =	vst.idx.add.f32.msk $0xffff, v12  }
0x59: {  	v9 =	vld.idx.msk [tilespmem:v13+s9+$0x0], $0xffff  }
0x5a: {  	v11 =	vadd.s32 $0x2710, v2;
	[tilespmem:v15+s11+$0x0] =	vst.idx.add.f32.msk $0xffff, v16  }
0x5b: {  	v4 =	vadd.s32 $0x2710, v4;
	v10 =	vld.idx.msk [tilespmem:v10+s9+$0x0], $0xffff  }
0x5c: {  	v12 =	vadd.s32 $0x2710, v3;
	v6 =	vld.idx.msk [tilespmem:v6+s9+$0x0], $0xffff  }
0x5d: {  	v13 =	vadd.s32 $0x2710, v1;
	[tilespmem:v3+s11+$0x0] =	vst.idx.add.f32.msk $0xffff, v8  }
0x5e: {  	[tilespmem:v2+s11+$0x0] =	vst.idx.add.f32.msk $0xffff, v7  }
0x5f: {  	[tilespmem:v11+s11+$0x0] =	vst.idx.add.f32.msk $0xffff, v9  }
0x60: {  	[tilespmem:v4+s11+$0x0] =	vst.idx.add.f32.msk $0xffff, v5  }
0x61: {  	[tilespmem:v12+s11+$0x0] =	vst.idx.add.f32.msk $0xffff, v14  }
0x62: {  	[tilespmem:v1+s11+$0x0] =	vst.idx.add.f32.msk $0xffff, v6  }
0x63: {  	[tilespmem:v13+s11+$0x0] =	vst.idx.add.f32.msk $0xffff, v10  }
0x64: {  	v1 =	vld [tilespmem:s14+$0x10]  }
0x65: {  	v3 =	vld [tilespmem:s14+$0x30]  }
0x66: {  	v2 =	vld [tilespmem:s14+$0x20]  }
0x67: {  	v4 =	vld [tilespmem:s14+$0x40]  }
0x68: {  	v5 =	vld [tilespmem:s14+$0x50]  }
0x69: {  	v16 =	vld [tilespmem:s14+$0x60]  }
0x6a: {  	v17 =	vld [tilespmem:s14+$0x70]  }
0x6b: {  	v8 =	vld [tilespmem:s14+$0x0]  }
0x6c: {  	v9 =	vld [tilespmem:s14+$0xFFFFFF80]  }
0x6d: {  	v10 =	vld [tilespmem:s14+$0xFFFFFFF0]  }
0x6e: {  	v11 =	vld [tilespmem:s14+$0xFFFFFFE0]  }
0x6f: {  	v12 =	vld [tilespmem:s14+$0xFFFFFFD0]  }
0x70: {  	v15 =	vld [tilespmem:s14+$0xFFFFFFC0]  }
0x71: {  	v13 =	vadd.s32 $0x2710, v9;
	v18 =	vld [tilespmem:s14+$0xFFFFFFB0]  }
0x72: {  	v7 =	vld [tilespmem:s14+$0xFFFFFFA0];
	v19 =	vadd.s32 $0x2710, v10  }
0x73: {  	v6 =	vld [tilespmem:s14+$0xFFFFFF90];
	v20 =	vadd.s32 $0x2710, v11  }
0x74: {  	v21 =	vld.idx.msk [tilespmem:v9+s9+$0x0], $0xffff;
	v22 =	vadd.s32 $0x2710, v12  }
0x75: {  	v9 =	vadd.s32 $0x2710, v15;
	v23 =	vld.idx.msk [tilespmem:v10+s9+$0x0], $0xffff  }
0x76: {  	v14 =	vadd.s32 $0x2710, v18;
	v24 =	vld.idx.msk [tilespmem:v11+s9+$0x0], $0xffff  }
0x77: {  	v25 =	vld.idx.msk [tilespmem:v13+s9+$0x0], $0xffff;
	v13 =	vadd.s32 $0x2710, v7  }
0x78: {  	v10 =	vadd.s32 $0x2710, v6;
	v11 =	vld.idx.msk [tilespmem:v12+s9+$0x0], $0xffff  }
0x79: {  	v19 =	vld.idx.msk [tilespmem:v19+s9+$0x0], $0xffff  }
0x7a: {  	v26 =	vadd.s32 $0x2710, v8;
	v12 =	vld.idx.msk [tilespmem:v15+s9+$0x0], $0xffff  }
0x7b: {  	v15 =	vld.idx.msk [tilespmem:v20+s9+$0x0], $0xffff  }
0x7c: {  	v20 =	vadd.s32 $0x2710, v17;
	[tilespmem:v8+s11+$0x0] =	vst.idx.add.f32.msk $0xffff, v21  }
0x7d: {  	v8 =	vld.idx.msk [tilespmem:v18+s9+$0x0], $0xffff  }
.Ltmp3:
0x7e: {  	[tilespmem:v17+s11+$0x0] =	vst.idx.add.f32.msk $0xffff, v23;
	(pc) =	sbr.rel @p1 .LBB2_4-.Ltmp3, $4  }
0x7f: {  	v17 =	vadd.s32 $0x2710, v16;
	[tilespmem:v26+s11+$0x0] =	vst.idx.add.f32.msk $0xffff, v25  }
0x80: {  	[tilespmem:v16+s11+$0x0] =	vst.idx.add.f32.msk $0xffff, v24  }
0x81: {  	[tilespmem:v20+s11+$0x0] =	vst.idx.add.f32.msk $0xffff, v19  }
0x82: {  	v16 =	vld.idx.msk [tilespmem:v22+s9+$0x0], $0xffff  }
0x83: {  	_ =	sdelay $0x3  }
0x84: {  	v7 =	vld.idx.msk [tilespmem:v7+s9+$0x0], $0xffff  }
0x85: {  	[tilespmem:v17+s11+$0x0] =	vst.idx.add.f32.msk $0xffff, v15  }
0x86: {  	v14 =	vld.idx.msk [tilespmem:v14+s9+$0x0], $0xffff  }
0x87: {  	[tilespmem:v5+s11+$0x0] =	vst.idx.add.f32.msk $0xffff, v11  }
0x88: {  	v59 =	vld.idx.msk [tilespmem:v9+s9+$0x0], $0xffff  }
0x89: {  	v58 =	vadd.s32 $0x2710, v5;
	[tilespmem:v4+s11+$0x0] =	vst.idx.add.f32.msk $0xffff, v12  }
0x8a: {  	v60 =	vld.idx.msk [tilespmem:v13+s9+$0x0], $0xffff  }
0x8b: {  	v10 =	vld.idx.msk [tilespmem:v10+s9+$0x0], $0xffff;
	v62 =	vadd.s32 $0x2710, v4  }
0x8c: {  	v6 =	vld.idx.msk [tilespmem:v6+s9+$0x0], $0xffff;
	v63 =	vadd.s32 $0x2710, v3  }
0x8d: {  	[tilespmem:v3+s11+$0x0] =	vst.idx.add.f32.msk $0xffff, v8  }
0x8e: {  	v61 =	vadd.s32 $0x2710, v2;
	[tilespmem:v58+s11+$0x0] =	vst.idx.add.f32.msk $0xffff, v16  }
0x8f: {  	v3 =	vadd.s32 $0x2710, v1;
	[tilespmem:v2+s11+$0x0] =	vst.idx.add.f32.msk $0xffff, v7  }
.Ltmp4:
0x90: {  	[tilespmem:v62+s11+$0x0] =	vst.idx.add.f32.msk $0xffff, v59;
	(pc) =	sbr.rel @p0 .LBB2_8-.Ltmp4, $4  }
0x91: {  	[tilespmem:v63+s11+$0x0] =	vst.idx.add.f32.msk $0xffff, v14  }
0x92: {  	[tilespmem:v1+s11+$0x0] =	vst.idx.add.f32.msk $0xffff, v6  }
0x93: {  	[tilespmem:v61+s11+$0x0] =	vst.idx.add.f32.msk $0xffff, v60  }
0x94: {  	[tilespmem:v3+s11+$0x0] =	vst.idx.add.f32.msk $0xffff, v10  }
0x95: {  	s14 =	simm.s32 $0xFFFFFFF8;
	s15 =	simm.s32 $0x4E00  }
.LBB2_7:
0x96: {  	v1 =	vld [tilespmem:s15+$0x0];
	_ =	sdelay $0x4  }
0x97: {  	v2 =	vld [tilespmem:s15+$0x80];
	v3 =	vadd.s32 $0x2710, v1;
	_ =	sdelay $0x3  }
0x98: {  	v1 =	vld.idx.msk [tilespmem:v1+s9+$0x0], $0xffff  }
0x99: {  	v4 =	vadd.s32 $0x2710, v2;
	v3 =	vld.idx.msk [tilespmem:v3+s9+$0x0], $0xffff;
	_ =	sdelay $0x3  }
0x9a: {  	[tilespmem:v2+s11+$0x0] =	vst.idx.add.f32.msk $0xffff, v1  }
0x9b: {  	[tilespmem:v4+s11+$0x0] =	vst.idx.add.f32.msk $0xffff, v3  }
0x9c: {  	v1 =	vld [tilespmem:s15+$0x10];
	_ =	sdelay $0x4  }
0x9d: {  	v2 =	vld [tilespmem:s15+$0x90];
	v3 =	vadd.s32 $0x2710, v1;
	_ =	sdelay $0x3  }
0x9e: {  	v1 =	vld.idx.msk [tilespmem:v1+s9+$0x0], $0xffff  }
0x9f: {  	v57 =	vadd.s32 $0x2710, v2;
	v3 =	vld.idx.msk [tilespmem:v3+s9+$0x0], $0xffff;
	_ =	sdelay $0x3  }
0xa0: {  	[tilespmem:v2+s11+$0x0] =	vst.idx.add.f32.msk $0xffff, v1  }
0xa1: {  	[tilespmem:v57+s11+$0x0] =	vst.idx.add.f32.msk $0xffff, v3  }
0xa2: {  	v1 =	vld [tilespmem:s15+$0x20];
	_ =	sdelay $0x4  }
0xa3: {  	v2 =	vld [tilespmem:s15+$0xA0];
	v3 =	vadd.s32 $0x2710, v1;
	_ =	sdelay $0x3  }
0xa4: {  	v1 =	vld.idx.msk [tilespmem:v1+s9+$0x0], $0xffff  }
0xa5: {  	v58 =	vadd.s32 $0x2710, v2;
	v3 =	vld.idx.msk [tilespmem:v3+s9+$0x0], $0xffff;
	_ =	sdelay $0x3  }
0xa6: {  	[tilespmem:v2+s11+$0x0] =	vst.idx.add.f32.msk $0xffff, v1  }
0xa7: {  	[tilespmem:v58+s11+$0x0] =	vst.idx.add.f32.msk $0xffff, v3  }
0xa8: {  	v1 =	vld [tilespmem:s15+$0x30];
	_ =	sdelay $0x4  }
0xa9: {  	v2 =	vld [tilespmem:s15+$0xB0];
	v3 =	vadd.s32 $0x2710, v1;
	_ =	sdelay $0x3  }
0xaa: {  	v1 =	vld.idx.msk [tilespmem:v1+s9+$0x0], $0xffff  }
0xab: {  	v59 =	vadd.s32 $0x2710, v2;
	v3 =	vld.idx.msk [tilespmem:v3+s9+$0x0], $0xffff;
	_ =	sdelay $0x3  }
0xac: {  	[tilespmem:v2+s11+$0x0] =	vst.idx.add.f32.msk $0xffff, v1  }
0xad: {  	[tilespmem:v59+s11+$0x0] =	vst.idx.add.f32.msk $0xffff, v3  }
0xae: {  	v1 =	vld [tilespmem:s15+$0x40];
	_ =	sdelay $0x4  }
0xaf: {  	v2 =	vld [tilespmem:s15+$0xC0];
	v3 =	vadd.s32 $0x2710, v1;
	_ =	sdelay $0x3  }
0xb0: {  	v1 =	vld.idx.msk [tilespmem:v1+s9+$0x0], $0xffff  }
0xb1: {  	v60 =	vadd.s32 $0x2710, v2;
	v3 =	vld.idx.msk [tilespmem:v3+s9+$0x0], $0xffff;
	_ =	sdelay $0x3  }
0xb2: {  	[tilespmem:v2+s11+$0x0] =	vst.idx.add.f32.msk $0xffff, v1  }
0xb3: {  	[tilespmem:v60+s11+$0x0] =	vst.idx.add.f32.msk $0xffff, v3  }
0xb4: {  	v1 =	vld [tilespmem:s15+$0x50];
	_ =	sdelay $0x4  }
0xb5: {  	v2 =	vld [tilespmem:s15+$0xD0];
	v3 =	vadd.s32 $0x2710, v1;
	_ =	sdelay $0x3  }
0xb6: {  	v1 =	vld.idx.msk [tilespmem:v1+s9+$0x0], $0xffff  }
0xb7: {  	v61 =	vadd.s32 $0x2710, v2;
	v3 =	vld.idx.msk [tilespmem:v3+s9+$0x0], $0xffff;
	_ =	sdelay $0x3  }
0xb8: {  	[tilespmem:v2+s11+$0x0] =	vst.idx.add.f32.msk $0xffff, v1  }
0xb9: {  	[tilespmem:v61+s11+$0x0] =	vst.idx.add.f32.msk $0xffff, v3  }
0xba: {  	v1 =	vld [tilespmem:s15+$0x60];
	_ =	sdelay $0x4  }
0xbb: {  	v2 =	vld [tilespmem:s15+$0xE0];
	v3 =	vadd.s32 $0x2710, v1;
	_ =	sdelay $0x3  }
0xbc: {  	v1 =	vld.idx.msk [tilespmem:v1+s9+$0x0], $0xffff  }
0xbd: {  	v62 =	vadd.s32 $0x2710, v2;
	v3 =	vld.idx.msk [tilespmem:v3+s9+$0x0], $0xffff;
	_ =	sdelay $0x3  }
0xbe: {  	[tilespmem:v2+s11+$0x0] =	vst.idx.add.f32.msk $0xffff, v1  }
0xbf: {  	[tilespmem:v62+s11+$0x0] =	vst.idx.add.f32.msk $0xffff, v3  }
0xc0: {  	v1 =	vld [tilespmem:s15+$0x70];
	_ =	sdelay $0x4  }
0xc1: {  	v2 =	vld [tilespmem:s15+$0xF0];
	v3 =	vadd.s32 $0x2710, v1;
	_ =	sdelay $0x3  }
0xc2: {  	s14 =	sadd.s32 $0x8, s14;
	v1 =	vld.idx.msk [tilespmem:v1+s9+$0x0], $0xffff  }
0xc3: {  	p1 =	slt.u32 s14, $0x18;
	v63 =	vadd.s32 $0x2710, v2;
	v3 =	vld.idx.msk [tilespmem:v3+s9+$0x0], $0xffff  }
.Ltmp5:
0xc4: {  	_ = 	snop;
	(pc) =	sbr.rel @p1 .LBB2_7-.Ltmp5, $3  }
0xc5: {  	_ =	sdelay $0x1  }
0xc6: {  	[tilespmem:v2+s11+$0x0] =	vst.idx.add.f32.msk $0xffff, v1  }
0xc7: {  	s15 =	sadd.s32 $0x100, s15;
	[tilespmem:v63+s11+$0x0] =	vst.idx.add.f32.msk $0xffff, v3  }
.Ltmp6:
0xc8: {  	_ = 	snop;
	(pc) =	sbr.rel .LBB2_8-.Ltmp6, $1  }
0xc9: {  	_ =	sdelay $0x3  }
.LBB2_9:
0xca: {  	_ =	sfence.sel $0x180000  }
0xcb: {  	[bflag:$0x0] =	sbarrier.arrive $0xFFFF  }
0xcc: {  	p0 =	sne.s32 s1, $0x0;
	_ =	strace $0x9000004A  }
0xcd: {  	s0 =	sadd.s32 @!p0 $0x100000, s0;
	[bflag:$0x2] =	sbarrier.arrive $0xFFFF  }
0xce: {  	[sflag:s0] =	ssyncadd.tile.s32 @!p0 $0x1;
	_ =	shalt  }
.Lfunc_end2:
_tile_overlayer_lowered:
.L_overlay_start_2:
0xcf: {  	(tag) =	ssettag $0x2  }
0xd0: {  	s0 =	rddreg [dreg:$0x0];
	s2 =	stileid.u32  }
0xd1: {  	s1 =	rddreg [dreg:$0x1];
	p0 =	sne.s32 s2, $0x0  }
0xd2: {  	s3 =	rddreg [dreg:$0x2];
	[bflag:$0x3] =	sbarrier.arrive $0xFFFF;
	s2 =	simm.s32 @!p0 $0x1C01  }
0xd3: {  	[timem:s3], [sflag:s2] =	dma.local @!p0 [hbm:s0], s1  }
0xd4: {  	s0 =	simm.s32 @!p0 $0x1  }
0xd5: {  	_ =	swait.ge @!p0 [sflag:s0], s1  }
0xd6: {  	s1 =	ssub.s32 @!p0 $0x0, s1;
	[sflag:s0] =	ssyncset.done @!p0 $0x0  }
0xd7: {  	[sflag:s0] =	ssyncadd.s32 @!p0 s1  }
0xd8: {  	[bflag:$0x3] =	sbarrier.arrive $0xFFFF  }
0xd9: {  	_ =	shalt  }

// kernel: kernel.7.cloned.1.call-start
scs
__scs_entry_jumppad:
0x0: {  	(pc) =	sbr.rel $0x88, $3  }
0x1: {  	(tag) =	ssettag $0x0;
	lr =	simm.s32 $0x1  }
0x2: {  	[smem:$0x3F9D] =	sst lr;
	_ =	strace $0xD0000000  }
0x3: {  	_ = 	snop  }
0x4: {  	_ = 	snop  }
0x5: {  	_ = 	snop  }
0x6: {  	_ = 	snop  }
0x7: {  	_ = 	snop  }
__scs_overlays_trampoline_lowered:
0x8: {  	[smem:$0x3FAC] =	sst s0  }
0x9: {  	[smem:$0x3FAD] =	sst s1  }
0xa: {  	[smem:$0x3FAE] =	sst s2  }
0xb: {  	[smem:$0x3FAF] =	sst s3  }
0xc: {  	[smem:$0x3FB0] =	sst s4  }
0xd: {  	[smem:$0x3FB1] =	sst s5  }
0xe: {  	[smem:$0x3FB2] =	sst s6  }
0xf: {  	[smem:$0x3FB3] =	sst s7  }
0x10: {  	[smem:$0x3FB4] =	sst s8  }
0x11: {  	[smem:$0x3FB5] =	sst s9;
	s0 =	simm.s32 @!p0 $0x0  }
0x12: {  	s1 =	sld [smem:$0x3F9B];
	s0 =	simm.s32 @p0 $0x1  }
0x13: {  	[smem:$0x3FB6] =	sst s0;
	s0 =	simm.s32 @!p1 $0x0  }
0x14: {  	s2 =	sld [smem:$0x3F9A];
	s0 =	simm.s32 @p1 $0x1  }
0x15: {  	[smem:$0x3FB7] =	sst s0;
	s0 =	simm.s32 @!p2 $0x0  }
0x16: {  	s3 =	sld [smem:$0x3FDB];
	s0 =	simm.s32 @p2 $0x1  }
0x17: {  	s4 =	simm.s32 $0x1BF5;
	[smem:$0x3FB9] =	sst s0  }
0x18: {  	s0 =	sld [smem:$0x3F9C];
	_ =	swait.ge [sflag:s4], $0x0  }
0x19: {  	s7 =	sld [smem:$0x3F9D]  }
0x1a: {  	s8 =	sadd.s32 $0xFFFFE003, lr  }
0x1b: {  	s9 =	sadd.s32 $0xFFFFFEF7, lr;
	s5 =	simm.s32 $0xFFFFFFFF;
	p2 =	slt.u32 s8, $0xFFFFF086  }
0x1c: {  	p1 =	slt.u32 s9, $0xF7A;
	s5 =	simm.s32 @!p2 $0x0  }
0x1d: {  	s5 =	simm.s32 @p1 $0x1;
	p0 =	seq.s32 s7, s2  }
0x1e: {  	s7 =	smul.u32 @!p0 $0xF7A, s2;
	p2 =	seq.s32 @!p0 s5, $0x0  }
0x1f: {  	s9 =	smul.u32 $0xF7A, s1;
	s8 =	simm.s32 @!p0 $0x1BF5;
	p2 =	por !p2, p0  }
0x20: {  	[sflag:s8] =	ssyncset.s32 @!p0 $0xFFFFF086;
	s6 =	sadd.s32 @!p0 s3, s7;
	s7 =	simm.s32 @!p0 $0x108  }
0x21: {  	s3 =	sadd.s32 s3, s9;
	s6 =	sadd.s32 @!p0 $0x88, s6;
	s7 =	simm.s32 @p2 $0x1082  }
0x22: {  	[simem:s7], [sflag:s8] =	dma.local @!p0 [hbm:s6], $0xF7A  }
0x23: {  	s9 =	sor.u32 $0xD0000000, s2;
	s6 =	simm.s32 $0x108;
	_ =	swait.ge @!p0 [sflag:s8], $0x0  }
0x24: {  	s3 =	sadd.s32 $0x88, s3;
	s6 =	simm.s32 @!p1 $0x1082;
	[sflag:s4] =	ssyncset.s32 $0xFFFFF086  }
0x25: {  	[simem:s6], [sflag:s4] =	dma.local [hbm:s3], $0xF7A  }
0x26: {  	[smem:$0x3F9D] =	sst s1;
	(tag) =	ssettag s2;
	_ =	strace s9  }
0x27: {  	s1 =	sld [smem:$0x3FAD]  }
0x28: {  	s2 =	sld [smem:$0x3FAE]  }
0x29: {  	s4 =	sld [smem:$0x3FB0]  }
0x2a: {  	p0 =	seq.s32 s5, $0x0;
	s5 =	sld [smem:$0x3FB1]  }
0x2b: {  	s6 =	sld [smem:$0x3FB2]  }
0x2c: {  	s7 =	sld [smem:$0x3FB3]  }
0x2d: {  	s3 =	simm.s32 $0x108;
	s8 =	sld [smem:$0x3FB4]  }
0x2e: {  	s3 =	simm.s32 @!p0 $0x1082;
	s9 =	sld [smem:$0x3FB5]  }
0x2f: {  	lr =	sadd.s32 s0, s3;
	s0 =	sld [smem:$0x3FAC]  }
0x30: {  	s3 =	sld [smem:$0x3FAF]  }
0x31: {  	[smem:$0x3FB8] =	sst s10  }
0x32: {  	s10 =	sld [smem:$0x3FB6];
	_ =	sdelay $0x3  }
0x33: {  	p0 =	seq.s32 s10, $0x1;
	s10 =	sld [smem:$0x3FB8];
	_ =	sdelay $0x3  }
0x34: {  	[smem:$0x3FB8] =	sst s10  }
0x35: {  	s10 =	sld [smem:$0x3FB7];
	_ =	sdelay $0x3  }
0x36: {  	p1 =	seq.s32 s10, $0x1;
	s10 =	sld [smem:$0x3FB8];
	_ =	sdelay $0x3  }
0x37: {  	[smem:$0x3FB8] =	sst s10  }
0x38: {  	s10 =	sld [smem:$0x3FB9]  }
0x39: {  	_ = 	snop;
	(pc) =	sbr.ind lr, $3  }
0x3a: {  	_ = 	snop  }
0x3b: {  	_ = 	snop  }
0x3c: {  	p2 =	seq.s32 s10, $0x1;
	s10 =	sld [smem:$0x3FB8]  }
0x3d: {  	_ =	shalt  }
0x3e: {  	_ =	shalt  }
0x3f: {  	_ =	shalt  }
0x40: {  	_ =	shalt  }
0x41: {  	_ =	shalt  }
0x42: {  	_ =	shalt  }
0x43: {  	_ =	shalt  }
0x44: {  	_ =	shalt  }
0x45: {  	_ =	shalt  }
0x46: {  	_ =	shalt  }
0x47: {  	_ =	shalt  }
0x48: {  	_ =	shalt  }
0x49: {  	_ =	shalt  }
0x4a: {  	_ =	shalt  }
0x4b: {  	_ =	shalt  }
0x4c: {  	_ =	shalt  }
0x4d: {  	_ =	shalt  }
0x4e: {  	_ =	shalt  }
0x4f: {  	_ =	shalt  }
0x50: {  	_ =	shalt  }
0x51: {  	_ =	shalt  }
0x52: {  	_ =	shalt  }
0x53: {  	_ =	shalt  }
0x54: {  	_ =	shalt  }
0x55: {  	_ =	shalt  }
0x56: {  	_ =	shalt  }
0x57: {  	_ =	shalt  }
0x58: {  	_ =	shalt  }
0x59: {  	_ =	shalt  }
0x5a: {  	_ =	shalt  }
0x5b: {  	_ =	shalt  }
0x5c: {  	_ =	shalt  }
0x5d: {  	_ =	shalt  }
0x5e: {  	_ =	shalt  }
0x5f: {  	_ =	shalt  }
0x60: {  	_ =	shalt  }
0x61: {  	_ =	shalt  }
0x62: {  	_ =	shalt  }
0x63: {  	_ =	shalt  }
0x64: {  	_ =	shalt  }
0x65: {  	_ =	shalt  }
0x66: {  	_ =	shalt  }
0x67: {  	_ =	shalt  }
0x68: {  	_ =	shalt  }
0x69: {  	_ =	shalt  }
0x6a: {  	_ =	shalt  }
0x6b: {  	_ =	shalt  }
0x6c: {  	_ =	shalt  }
0x6d: {  	_ =	shalt  }
0x6e: {  	_ =	shalt  }
0x6f: {  	_ =	shalt  }
0x70: {  	_ =	shalt  }
0x71: {  	_ =	shalt  }
0x72: {  	_ =	shalt  }
0x73: {  	_ =	shalt  }
0x74: {  	_ =	shalt  }
0x75: {  	_ =	shalt  }
0x76: {  	_ =	shalt  }
0x77: {  	_ =	shalt  }
0x78: {  	_ =	shalt  }
0x79: {  	_ =	shalt  }
0x7a: {  	_ =	shalt  }
0x7b: {  	_ =	shalt  }
0x7c: {  	_ =	shalt  }
0x7d: {  	_ =	shalt  }
0x7e: {  	_ =	shalt  }
0x7f: {  	_ =	shalt  }
0x80: {  	_ =	shalt  }
0x81: {  	_ =	shalt  }
0x82: {  	_ =	shalt  }
0x83: {  	_ =	shalt  }
0x84: {  	_ =	shalt  }
0x85: {  	_ =	shalt  }
0x86: {  	_ =	shalt  }
0x87: {  	_ =	shalt  }
.Lfunc_end0:
.L_simem_size_0:
called_computation_lowered:
.L_overlay_start_0:
0x88: {  	s2 =	sld [smem:$0x3FD9]  }
0x89: {  	s3 =	sld [smem:$0x3FFE];
	_ =	sdelay $0x1  }
0x8a: {  	s1 =	srdreg.scid  }
0x8b: {  	s0 =	sand.u32 $0x1, s1  }
0x8c: {  	s17 =	sshll.u32 s0, $0xA;
	s2 =	sadd.s32 s3, s2  }
0x8d: {  	s2 =	sadd.s32 s2, s17  }
0x8e: {  	[smem:$0x3FC4] =	sst s2  }
0x8f: {  	_ = 	snop  }
0x90: {  	s2 =	sld [smem:$0x3FC8];
	(tm) =	ssettm $0x1  }
0x91: {  	s18 =	sld [smem:$0x3FFB];
	_ =	sdelay $0x3  }
0x92: {  	_ =	strace s18  }
0x93: {  	s3 =	sld [smem:$0x3FFC];
	_ =	sdelay $0x3  }
0x94: {  	_ =	strace s3  }
0x95: {  	s3 =	sld [smem:$0x3FFD];
	_ =	sdelay $0x3  }
0x96: {  	_ =	strace s3  }
0x97: {  	_ =	strace $0x8FFFFFFF  }
0x98: {  	s19 =	sld [smem:$0x3FDB];
	_ =	sdelay $0x1  }
0x99: {  	s4 =	simm.s32 $_scs_section_size  }
0x9a: {  	s5 =	simm.s32 $_size__tile_overlayer_lowered;
	s6 =	simm.s32 $_tile_overlayer_lowered  }
0x9b: {  	s22 =	simm.s32 $0x1BFF;
	s21 =	sshll.u32 s6, $0x1;
	s3 =	sadd.s32 s4, s19  }
0x9c: {  	s7 =	simm.s32 $0x0;
	s20 =	sshll.u32 s5, $0x1;
	s5 =	sadd.s32 s21, s3  }
0x9d: {  	[timem:s7], [sflag:s22] =	dma.local [hbm:s5], s20  }
0x9e: {  	_ =	swait.ge [sflag:s22], s20  }
0x9f: {  	s4 =	ssub.s32 $0x0, s20;
	[sflag:s22] =	ssyncset.done $0x0  }
0xa0: {  	[sflag:s22] =	ssyncadd.s32 s4;
	_ =	sdelay $0x1  }
0xa1: {  	s23 =	simm.s32 $0x1B8B  }
0xa2: {  	_ =	swait.ge [sflag:s23], $0x1  }
0xa3: {  	[sflag:s23] =	ssyncset.done $0x0  }
0xa4: {  	s25 =	simm.s32 $0x1B8E;
	s24 =	sld [smem:$0x3FFE];
	[sflag:s23] =	ssyncadd.s32 $0xFFFFFFFF  }
0xa5: {  	s26 =	simm.s32 $execute0_lowered;
	[smem:$0x3FD2] =	sst s25  }
0xa6: {  	s5 =	sshll.u32 s26, $0x1;
	_ =	strace $0x80000046;
	[dreg:$0x1] =	wrdreg $0xFFFFFFFF  }
0xa7: {  	s28 =	simm.s32 $_size_execute0_lowered;
	s3 =	sadd.s32 s3, s5;
	[dreg:$0x0] =	wrdreg $0x0  }
0xa8: {  	s5 =	sshll.u32 s28, $0x1;
	[dreg:$0x2] =	wrdreg s3  }
0xa9: {  	[dreg:$0x3] =	wrdreg s5  }
0xaa: {  	[dreg:$0x4] =	wrdreg $0xC0  }
0xab: {  	_ =	task [dreg:s7], $0x5FFFF  }
0xac: {  	[dreg:$0x1] =	wrdreg $0xFFFFFFFF  }
0xad: {  	[dreg:$0x0] =	wrdreg $0x60  }
0xae: {  	[dreg:$0x2] =	wrdreg s2  }
0xaf: {  	[dreg:$0x3] =	wrdreg s24  }
0xb0: {  	[dreg:$0x4] =	wrdreg $0x9  }
0xb1: {  	_ =	task.clear_ibuf [dreg:s7], $0x5FFFF;
	_ =	strace $0x90000046  }
0xb2: {  	s29 =	simm.s32 $0x9;
	_ =	strace $0x80000048  }
0xb3: {  	_ =	swait.ge [sflag:s29], $0x1  }
0xb4: {  	[sflag:s29] =	ssyncadd.s32 $0xFFFFFFFF  }
0xb5: {  	_ =	strace $0x90000048  }
0xb6: {  	_ =	sfence  }
0xb7: {  	s30 =	sld [smem:$0x0];
	_ =	sdelay $0x2  }
0xb8: {  	s31 =	sshll.u32 s1, $0xD;
	s1 =	sshrl.u32 s1, $0x2  }
0xb9: {  	s3 =	sand.u32 $0x4000, s31;
	s1 =	sadd.s32 s1, s30  }
0xba: {  	s0 =	sor.u32 s3, s0;
	s1 =	sshll.u32 s1, $0x11  }
0xbb: {  	s0 =	sor.u32 s1, s0  }
0xbc: {  	s0 =	sadd.s32 $0x8F2B, s0  }
0xbd: {  	[sflag:s0] =	ssyncadd.remote.s32 $0x1  }
0xbe: {  	_ =	sfence.sel $0xFFFF  }
0xbf: {  	[dreg:$0x0] =	wrdreg $0xFFFFFFFF;
	(pc) =	sbr.abs _section_cstart, $3  }
0xc0: {  	[dreg:$0x1] =	wrdreg $0xFFFFFFFF  }
0xc1: {  	_ =	task.clear_ibuf [dreg:s7], $0x2FFFF;
	_ =	strace $0x9FFFFFFF  }
0xc2: {  	(tm) =	ssettm $0x7FFFFFFF  }
0xc3: {  	_ =	shalt  }
tec
execute0_lowered:
.L_overlay_start_1:
0x0: {  	(tag) =	ssettag $0x1  }
0x1: {  	s1 =	srdreg.scid  }
0x2: {  	s5 =	sand.u32 $0x1, s1  }
0x3: {  	s4 =	rddreg [dreg:$0x0];
	s1 =	stileid.u32;
	s6 =	sshll.u32 s5, $0x4  }
0x4: {  	s3 =	rddreg [dreg:$0x1];
	s8 =	sor.u32 s1, s6  }
0x5: {  	s0 =	rddreg [dreg:$0x2];
	s2 =	simm.s32 $0x0;
	s6 =	smul.u32 $0x2710, s8  }
0x6: {  	s11 =	simm.s32 $0x0;
	[smem:$0x7FF] =	sst s2;
	s31 =	smul.u32 $0x9C0, s8  }
0x7: {  	s7 =	sadd.s32 $0x1C00, s3;
	s30 =	ssub.s32 $0x2, s5;
	s10 =	smul.u32 $0x4E2, s8  }
.Ltmp0:
0x8: {  	_ =	strace $0x80000047;
	s9 =	sshrl.u32 s30, $0x1;
	(pc) =	sbr.rel .LBB2_1-.Ltmp0, $4  }
0x9: {  	s9 =	ssub.s32 s30, s9;
	p0 =	sne.s32 s8, $0x1F;
	s8 =	simm.s32 $0x1  }
0xa: {  	s6 =	sshrl.u32 s6, $0x3;
	s3 =	sadd.s32 s4, s31;
	s4 =	sadd.s32 $0x13800, s4  }
0xb: {  	s5 =	sadd.s32 s7, s10;
	s10 =	simm.s32 $0x7980;
	s6 =	sadd.s32 s7, s6  }
0xc: {  	v0 =	vimm.f32 $0.0e+00;
	v1 =	vimm.f32 $1.000000000e+00;
	s7 =	smax.u32 s9, $0x1;
	s9 =	simm.s32 $0x5200;
	s6 =	sadd.s32 $0x9C40, s6  }
.LBB2_8:
0xd: {  	[hbm4b:s5+s2] =	stream.linear.scatter [tilespmem:s9], [sflag:$0x1], $0x2710, $0x38;
	[tilespmem:$0xA100] =	vst v63  }
0xe: {  	s11 =	sadd.s32 $0x1, s11;
	_ =	swait.ge [sflag:s8], $0x2710  }
0xf: {  	p1 =	sne.s32 s11, s7;
	[sflag:s8] =	ssyncset.done $0x0  }
.Ltmp1:
0x10: {  	[sflag:s8] =	ssyncadd.s32 $0xFFFFD8F0;
	(pc) =	sbr.rel @!p1 .LBB2_9-.Ltmp1, $4  }
0x11: {  	[hbm4b:s6+s2] =	stream.linear.scatter [tilespmem:s10], [sflag:$0x1], $0x2710, $0x38;
	[tilespmem:$0xA100] =	vst v63  }
0x12: {  	_ =	swait.ge [sflag:s8], $0x2710  }
0x13: {  	[sflag:s8] =	ssyncset.done $0x0  }
0x14: {  	[sflag:s8] =	ssyncadd.s32 $0xFFFFD8F0  }
.LBB2_1:
0x15: {  	[tilespmem:s2], [sflag:$0x1] =	stream.linear.gather [hbm4b:s3+s2], $0x4E00, $0x38;
	[tilespmem:$0xA100] =	vst v63  }
0x16: {  	_ =	swait.ge [sflag:s8], $0x4E00  }
0x17: {  	[sflag:s8] =	ssyncset.done $0x0  }
0x18: {  	s12 =	simm.s32 @!p0 $0x0;
	s13 =	simm.s32 @!p0 $0x4E00;
	[sflag:s8] =	ssyncadd.s32 $0xFFFFB200  }
0x19: {  	[tilespmem:s13], [sflag:$0x1] =	stream.linear.gather @!p0 [hbm4b:s4+s12], $0x400, $0x38;
	[tilespmem:$0xA100] =	vst v63  }
0x1a: {  	s12 =	simm.s32 @!p0 $0x1  }
0x1b: {  	_ =	swait.ge @!p0 [sflag:s12], $0x400  }
0x1c: {  	[sflag:s12] =	ssyncset.done @!p0 $0x0  }
0x1d: {  	s31 =	simm.s32 $0x5240;
	[sflag:s12] =	ssyncadd.s32 @!p0 $0xFFFFFC00  }
0x1e: {  	s12 =	simm.s32 $0x79C0;
	[tilespmem:s31+$0xFFFFFFC0] =	vst v0  }
0x1f: {  	[tilespmem:s12+$0xFFFFFFC0] =	vst v0  }
0x20: {  	[tilespmem:s31+$0xFFFFFFD0] =	vst v0  }
0x21: {  	[tilespmem:s12+$0xFFFFFFD0] =	vst v0  }
0x22: {  	[tilespmem:s31+$0xFFFFFFE0] =	vst v0  }
0x23: {  	[tilespmem:s12+$0xFFFFFFE0] =	vst v0  }
0x24: {  	[tilespmem:s31+$0xFFFFFFF0] =	vst v0  }
0x25: {  	[tilespmem:s12+$0xFFFFFFF0] =	vst v0  }
0x26: {  	[tilespmem:s31+$0x0] =	vst v0  }
0x27: {  	[tilespmem:s12+$0x0] =	vst v0  }
0x28: {  	[tilespmem:s31+$0x10] =	vst v0  }
0x29: {  	[tilespmem:s12+$0x10] =	vst v0  }
0x2a: {  	[tilespmem:s31+$0x20] =	vst v0  }
0x2b: {  	[tilespmem:s12+$0x20] =	vst v0  }
0x2c: {  	[tilespmem:s31+$0x30] =	vst v0  }
0x2d: {  	s14 =	simm.s32 $0x52C0;
	s13 =	simm.s32 $0x0;
	[tilespmem:s12+$0x30] =	vst v0  }
.LBB2_2:
0x2e: {  	[tilespmem:s14+$0xFFFFFFC0] =	vst v0;
	s12 =	sadd.s32 $0x80, s12  }
0x2f: {  	[tilespmem:s12+$0xFFFFFFC0] =	vst v0  }
0x30: {  	[tilespmem:s14+$0xFFFFFFD0] =	vst v0  }
0x31: {  	[tilespmem:s12+$0xFFFFFFD0] =	vst v0  }
0x32: {  	[tilespmem:s14+$0xFFFFFFE0] =	vst v0  }
0x33: {  	[tilespmem:s12+$0xFFFFFFE0] =	vst v0  }
0x34: {  	[tilespmem:s14+$0xFFFFFFF0] =	vst v0  }
0x35: {  	[tilespmem:s12+$0xFFFFFFF0] =	vst v0  }
0x36: {  	[tilespmem:s14+$0x0] =	vst v0  }
0x37: {  	s13 =	sadd.s32 $0x8, s13;
	[tilespmem:s12+$0x0] =	vst v0  }
0x38: {  	p1 =	slt.u32 s13, $0x268;
	[tilespmem:s14+$0x10] =	vst v0  }
.Ltmp2:
0x39: {  	[tilespmem:s12+$0x10] =	vst v0;
	(pc) =	sbr.rel @p1 .LBB2_2-.Ltmp2, $4  }
0x3a: {  	[tilespmem:s14+$0x20] =	vst v0  }
0x3b: {  	[tilespmem:s12+$0x20] =	vst v0  }
0x3c: {  	[tilespmem:s14+$0x30] =	vst v0  }
0x3d: {  	s14 =	sadd.s32 $0x80, s14;
	[tilespmem:s12+$0x30] =	vst v0  }
0x3e: {  	[tilespmem:$0x7900] =	vst v0  }
0x3f: {  	[tilespmem:$0xA080] =	vst v0;
	s12 =	simm.s32 $0x80  }
0x40: {  	v2 =	vld [tilespmem:s12+$0x20]  }
0x41: {  	v3 =	vld [tilespmem:s12+$0x10]  }
0x42: {  	v4 =	vld [tilespmem:s12+$0x30]  }
0x43: {  	v5 =	vld [tilespmem:s12+$0x40]  }
0x44: {  	v10 =	vld [tilespmem:s12+$0x0]  }
0x45: {  	v11 =	vld [tilespmem:s12+$0xFFFFFF80]  }
0x46: {  	v6 =	vld [tilespmem:s12+$0x50]  }
0x47: {  	v12 =	vld [tilespmem:s12+$0x60]  }
0x48: {  	v13 =	vld [tilespmem:s12+$0x70]  }
0x49: {  	v14 =	vld [tilespmem:s12+$0xFFFFFFF0]  }
0x4a: {  	v15 =	vld [tilespmem:s12+$0xFFFFFFE0]  }
0x4b: {  	v16 =	vld [tilespmem:s12+$0xFFFFFFD0]  }
0x4c: {  	v17 =	vld [tilespmem:s12+$0xFFFFFFC0]  }
0x4d: {  	v9 =	vld [tilespmem:s12+$0xFFFFFFB0]  }
0x4e: {  	v7 =	vld [tilespmem:s12+$0xFFFFFFA0]  }
0x4f: {  	v8 =	vld [tilespmem:s12+$0xFFFFFF90]  }
0x50: {  	[tilespmem:v11+s9+$0x0] =	vst.idx.add.f32.msk $0xffff, v1  }
0x51: {  	[tilespmem:v14+s9+$0x0] =	vst.idx.add.f32.msk $0xffff, v1  }
0x52: {  	[tilespmem:v15+s9+$0x0] =	vst.idx.add.f32.msk $0xffff, v1  }
0x53: {  	[tilespmem:v16+s9+$0x0] =	vst.idx.add.f32.msk $0xffff, v1  }
0x54: {  	[tilespmem:v17+s9+$0x0] =	vst.idx.add.f32.msk $0xffff, v1  }
0x55: {  	[tilespmem:v10+s10+$0x0] =	vst.idx.add.f32.msk $0xffff, v1  }
0x56: {  	[tilespmem:v13+s10+$0x0] =	vst.idx.add.f32.msk $0xffff, v1  }
0x57: {  	s13 =	simm.s32 $0x0;
	[tilespmem:v12+s10+$0x0] =	vst.idx.add.f32.msk $0xffff, v1  }
.LBB2_4:
0x58: {  	s13 =	sadd.s32 $0x80, s13;
	[tilespmem:v6+s10+$0x0] =	vst.idx.add.f32.msk $0xffff, v1;
	s12 =	sadd.s32 $0x100, s12  }
0x59: {  	p1 =	slt.u32 s13, $0x2680;
	[tilespmem:v5+s10+$0x0] =	vst.idx.add.f32.msk $0xffff, v1  }
0x5a: {  	[tilespmem:v9+s9+$0x0] =	vst.idx.add.f32.msk $0xffff, v1  }
0x5b: {  	[tilespmem:v4+s10+$0x0] =	vst.idx.add.f32.msk $0xffff, v1  }
0x5c: {  	[tilespmem:v7+s9+$0x0] =	vst.idx.add.f32.msk $0xffff, v1  }
0x5d: {  	[tilespmem:v8+s9+$0x0] =	vst.idx.add.f32.msk $0xffff, v1  }
0x5e: {  	[tilespmem:v2+s10+$0x0] =	vst.idx.add.f32.msk $0xffff, v1  }
0x5f: {  	[tilespmem:v3+s10+$0x0] =	vst.idx.add.f32.msk $0xffff, v1  }
0x60: {  	v2 =	vld [tilespmem:s12+$0x20]  }
0x61: {  	v3 =	vld [tilespmem:s12+$0x10]  }
0x62: {  	v4 =	vld [tilespmem:s12+$0x30]  }
0x63: {  	v5 =	vld [tilespmem:s12+$0x40]  }
0x64: {  	v10 =	vld [tilespmem:s12+$0x0]  }
0x65: {  	v11 =	vld [tilespmem:s12+$0xFFFFFF80]  }
0x66: {  	v6 =	vld [tilespmem:s12+$0x50]  }
0x67: {  	v12 =	vld [tilespmem:s12+$0x60]  }
0x68: {  	v13 =	vld [tilespmem:s12+$0x70]  }
0x69: {  	v14 =	vld [tilespmem:s12+$0xFFFFFFF0]  }
0x6a: {  	v15 =	vld [tilespmem:s12+$0xFFFFFFE0]  }
0x6b: {  	v16 =	vld [tilespmem:s12+$0xFFFFFFD0]  }
0x6c: {  	v17 =	vld [tilespmem:s12+$0xFFFFFFC0]  }
0x6d: {  	v9 =	vld [tilespmem:s12+$0xFFFFFFB0]  }
0x6e: {  	v7 =	vld [tilespmem:s12+$0xFFFFFFA0]  }
0x6f: {  	v8 =	vld [tilespmem:s12+$0xFFFFFF90]  }
0x70: {  	[tilespmem:v11+s9+$0x0] =	vst.idx.add.f32.msk $0xffff, v1  }
0x71: {  	[tilespmem:v14+s9+$0x0] =	vst.idx.add.f32.msk $0xffff, v1  }
0x72: {  	[tilespmem:v10+s10+$0x0] =	vst.idx.add.f32.msk $0xffff, v1  }
.Ltmp3:
0x73: {  	[tilespmem:v15+s9+$0x0] =	vst.idx.add.f32.msk $0xffff, v1;
	(pc) =	sbr.rel @p1 .LBB2_4-.Ltmp3, $4  }
0x74: {  	[tilespmem:v13+s10+$0x0] =	vst.idx.add.f32.msk $0xffff, v1  }
0x75: {  	[tilespmem:v16+s9+$0x0] =	vst.idx.add.f32.msk $0xffff, v1  }
0x76: {  	[tilespmem:v12+s10+$0x0] =	vst.idx.add.f32.msk $0xffff, v1  }
0x77: {  	[tilespmem:v17+s9+$0x0] =	vst.idx.add.f32.msk $0xffff, v1  }
0x78: {  	_ =	sdelay $0x3  }
0x79: {  	[tilespmem:v6+s10+$0x0] =	vst.idx.add.f32.msk $0xffff, v1  }
0x7a: {  	[tilespmem:v5+s10+$0x0] =	vst.idx.add.f32.msk $0xffff, v1  }
0x7b: {  	[tilespmem:v9+s9+$0x0] =	vst.idx.add.f32.msk $0xffff, v1  }
.Ltmp4:
0x7c: {  	[tilespmem:v7+s9+$0x0] =	vst.idx.add.f32.msk $0xffff, v1;
	(pc) =	sbr.rel @p0 .LBB2_8-.Ltmp4, $4  }
0x7d: {  	[tilespmem:v8+s9+$0x0] =	vst.idx.add.f32.msk $0xffff, v1  }
0x7e: {  	[tilespmem:v4+s10+$0x0] =	vst.idx.add.f32.msk $0xffff, v1  }
0x7f: {  	[tilespmem:v2+s10+$0x0] =	vst.idx.add.f32.msk $0xffff, v1  }
0x80: {  	[tilespmem:v3+s10+$0x0] =	vst.idx.add.f32.msk $0xffff, v1  }
0x81: {  	s12 =	simm.s32 $0xFFFFFFF8;
	s13 =	simm.s32 $0x4E00  }
.LBB2_7:
0x82: {  	v2 =	vld [tilespmem:s13+$0x0]  }
0x83: {  	v3 =	vld [tilespmem:s13+$0x80];
	_ =	sdelay $0x6  }
0x84: {  	[tilespmem:v2+s9+$0x0] =	vst.idx.add.f32.msk $0xffff, v1  }
0x85: {  	[tilespmem:v3+s10+$0x0] =	vst.idx.add.f32.msk $0xffff, v1  }
0x86: {  	v2 =	vld [tilespmem:s13+$0x10]  }
0x87: {  	v3 =	vld [tilespmem:s13+$0x90];
	_ =	sdelay $0x6  }
0x88: {  	[tilespmem:v2+s9+$0x0] =	vst.idx.add.f32.msk $0xffff, v1  }
0x89: {  	[tilespmem:v3+s10+$0x0] =	vst.idx.add.f32.msk $0xffff, v1  }
0x8a: {  	v2 =	vld [tilespmem:s13+$0x20]  }
0x8b: {  	v3 =	vld [tilespmem:s13+$0xA0];
	_ =	sdelay $0x6  }
0x8c: {  	[tilespmem:v2+s9+$0x0] =	vst.idx.add.f32.msk $0xffff, v1  }
0x8d: {  	[tilespmem:v3+s10+$0x0] =	vst.idx.add.f32.msk $0xffff, v1  }
0x8e: {  	v2 =	vld [tilespmem:s13+$0x30]  }
0x8f: {  	v3 =	vld [tilespmem:s13+$0xB0];
	_ =	sdelay $0x6  }
0x90: {  	[tilespmem:v2+s9+$0x0] =	vst.idx.add.f32.msk $0xffff, v1  }
0x91: {  	[tilespmem:v3+s10+$0x0] =	vst.idx.add.f32.msk $0xffff, v1  }
0x92: {  	v2 =	vld [tilespmem:s13+$0x40]  }
0x93: {  	v3 =	vld [tilespmem:s13+$0xC0];
	_ =	sdelay $0x6  }
0x94: {  	[tilespmem:v2+s9+$0x0] =	vst.idx.add.f32.msk $0xffff, v1  }
0x95: {  	[tilespmem:v3+s10+$0x0] =	vst.idx.add.f32.msk $0xffff, v1  }
0x96: {  	v2 =	vld [tilespmem:s13+$0x50]  }
0x97: {  	v3 =	vld [tilespmem:s13+$0xD0];
	_ =	sdelay $0x6  }
0x98: {  	[tilespmem:v2+s9+$0x0] =	vst.idx.add.f32.msk $0xffff, v1  }
0x99: {  	[tilespmem:v3+s10+$0x0] =	vst.idx.add.f32.msk $0xffff, v1  }
0x9a: {  	v2 =	vld [tilespmem:s13+$0x60]  }
0x9b: {  	v3 =	vld [tilespmem:s13+$0xE0];
	_ =	sdelay $0x6  }
0x9c: {  	[tilespmem:v2+s9+$0x0] =	vst.idx.add.f32.msk $0xffff, v1  }
0x9d: {  	[tilespmem:v3+s10+$0x0] =	vst.idx.add.f32.msk $0xffff, v1  }
0x9e: {  	v2 =	vld [tilespmem:s13+$0x70]  }
0x9f: {  	v3 =	vld [tilespmem:s13+$0xF0];
	_ =	sdelay $0x1  }
0xa0: {  	s12 =	sadd.s32 $0x8, s12  }
0xa1: {  	p1 =	slt.u32 s12, $0x18  }
.Ltmp5:
0xa2: {  	_ = 	snop;
	(pc) =	sbr.rel @p1 .LBB2_7-.Ltmp5, $3  }
0xa3: {  	_ =	sdelay $0x1  }
0xa4: {  	[tilespmem:v2+s9+$0x0] =	vst.idx.add.f32.msk $0xffff, v1  }
0xa5: {  	s13 =	sadd.s32 $0x100, s13;
	[tilespmem:v3+s10+$0x0] =	vst.idx.add.f32.msk $0xffff, v1  }
.Ltmp6:
0xa6: {  	_ = 	snop;
	(pc) =	sbr.rel .LBB2_8-.Ltmp6, $1  }
0xa7: {  	_ =	sdelay $0x3  }
.LBB2_9:
0xa8: {  	_ =	sfence.sel $0x180000  }
0xa9: {  	[bflag:$0x0] =	sbarrier.arrive $0xFFFF  }
0xaa: {  	p0 =	sne.s32 s1, $0x0;
	_ =	strace $0x90000047  }
0xab: {  	s0 =	sadd.s32 @!p0 $0x100000, s0;
	[bflag:$0x2] =	sbarrier.arrive $0xFFFF  }
0xac: {  	[sflag:s0] =	ssyncadd.tile.s32 @!p0 $0x1;
	_ =	shalt  }
.Lfunc_end2:
_tile_overlayer_lowered:
.L_overlay_start_2:
0xad: {  	(tag) =	ssettag $0x2  }
0xae: {  	s0 =	rddreg [dreg:$0x0];
	s2 =	stileid.u32  }
0xaf: {  	s1 =	rddreg [dreg:$0x1];
	p0 =	sne.s32 s2, $0x0  }
0xb0: {  	s3 =	rddreg [dreg:$0x2];
	[bflag:$0x3] =	sbarrier.arrive $0xFFFF;
	s2 =	simm.s32 @!p0 $0x1C01  }
0xb1: {  	[timem:s3], [sflag:s2] =	dma.local @!p0 [hbm:s0], s1  }
0xb2: {  	s0 =	simm.s32 @!p0 $0x1  }
0xb3: {  	_ =	swait.ge @!p0 [sflag:s0], s1  }
0xb4: {  	s1 =	ssub.s32 @!p0 $0x0, s1;
	[sflag:s0] =	ssyncset.done @!p0 $0x0  }
0xb5: {  	[sflag:s0] =	ssyncadd.s32 @!p0 s1  }
0xb6: {  	[bflag:$0x3] =	sbarrier.arrive $0xFFFF  }
0xb7: {  	_ =	shalt  }

</sc_bundles>
